<compile_context>
chip_gen: v7x
topology: tpu7x:2x2x1
jax: 0.10.2.dev20260603
libtpu: 0.0.44.dev20260713+nightly
codegen_flags: <defaults>
</compile_context>

<pallas_src>
import functools

import jax
import jax.numpy as jnp
from jax import lax
from jax.experimental import pallas as pl
from jax.experimental.pallas import tpu as pltpu
from jax.experimental.pallas import tpu_sc as plsc

N_CORES = 2
N_SUBCORES = 16
N_WORKERS = N_CORES * N_SUBCORES
LANES = 16
CHUNK = 1024
FILL_ROWS = 512
LAT_STRIDE = 16


@functools.lru_cache(maxsize=None)
def _build(n_edges: int, n_nodes: int, n_graphs: int):
    n_chunks = n_edges // CHUNK
    t_max = (n_chunks + N_WORKERS - 1) // N_WORKERS
    n_fill = (n_nodes + FILL_ROWS - 1) // FILL_ROWS
    f_max = (n_fill + N_SUBCORES - 1) // N_SUBCORES
    sp_rows = n_fill * FILL_ROWS
    mesh = plsc.VectorSubcoreMesh(
        core_axis_name="c", subcore_axis_name="s",
        num_cores=N_CORES, num_subcores=N_SUBCORES)

    @functools.partial(
        pl.kernel,
        out_type=jax.ShapeDtypeStruct((n_edges,), jnp.float32),
        mesh=mesh,
        scratch_types=[
            pltpu.VMEM_SHARED((sp_rows, 8), jnp.float32),
            pltpu.VMEM((n_graphs * LAT_STRIDE,), jnp.float32),
            pltpu.VMEM((FILL_ROWS * 8,), jnp.float32),
            pltpu.VMEM((FILL_ROWS, 8), jnp.float32),
            pltpu.VMEM((FILL_ROWS,), jnp.int32),
            pltpu.VMEM((CHUNK,), jnp.int32),
            pltpu.VMEM((CHUNK,), jnp.int32),
            pltpu.VMEM((CHUNK,), jnp.int32),
            pltpu.VMEM((CHUNK,), jnp.int32),
            pltpu.VMEM((CHUNK * 3,), jnp.float32),
            pltpu.VMEM((CHUNK * 3,), jnp.float32),
            pltpu.VMEM((CHUNK, 8), jnp.float32),
            pltpu.VMEM((CHUNK, 8), jnp.float32),
            pltpu.VMEM((CHUNK, 8), jnp.float32),
            pltpu.VMEM((CHUNK, 8), jnp.float32),
            pltpu.VMEM((CHUNK,), jnp.float32),
            pltpu.VMEM((CHUNK,), jnp.float32),
            pltpu.SemaphoreType.DMA,
            pltpu.SemaphoreType.DMA,
            pltpu.SemaphoreType.DMA,
            pltpu.SemaphoreType.DMA,
            pltpu.SemaphoreType.DMA,
            pltpu.SemaphoreType.DMA,
            pltpu.SemaphoreType.DMA,
            pltpu.SemaphoreType.DMA,
            pltpu.SemaphoreType.DMA,
        ],
        compiler_params=pltpu.CompilerParams(
            needs_layout_passes=False, use_tc_tiling_on_sc=False),
    )
    def dist_kernel(ntf, lat, dst, src, sh, out,
                    nt_sp, lat_v, tfill, t2d, fidx,
                    di0, di1, si0, si1, shv0, shv1,
                    drow0, drow1, srow0, srow1, outv0, outv1,
                    sem, isem0, isem1, hsem0, hsem1,
                    gsem0, gsem1, osem0, osem1):
        di = [di0, di1]; si = [si0, si1]; shv = [shv0, shv1]
        drow = [drow0, drow1]; srow = [srow0, srow1]; outv = [outv0, outv1]
        isem = [isem0, isem1]; hsem = [hsem0, hsem1]
        gsem = [gsem0, gsem1]; osem = [osem0, osem1]
        cid = lax.axis_index("c")
        sid = lax.axis_index("s")
        wid = sid * N_CORES + cid

        pltpu.sync_copy(lat, lat_v)

        iota = lax.iota(jnp.int32, LANES)
        lane3 = iota * 3
        iota_d8 = iota >> 3
        iota_m8 = iota & 7
        c0 = jnp.full((LANES,), 0, jnp.int32)
        c1 = jnp.full((LANES,), 1, jnp.int32)
        c2 = jnp.full((LANES,), 2, jnp.int32)
        c3 = jnp.full((LANES,), 3, jnp.int32)

        @pl.loop(0, f_max)
        def _fill(ft):
            fc = sid + ft * N_SUBCORES

            @pl.when(fc < n_fill)
            def _():
                wbase = fc * (FILL_ROWS * 8)
                cp = pltpu.make_async_copy(
                    ntf.at[pl.ds(wbase, FILL_ROWS * 8)], tfill, sem)
                cp.start(); cp.wait()

                @pl.loop(0, FILL_ROWS * 8 // LANES)
                def _re(v):
                    x = tfill[pl.ds(v * LANES, LANES)]
                    rows = iota_d8 + v * (LANES // 8)
                    plsc.store_scatter(t2d, [rows, iota_m8], x)

                @pl.loop(0, FILL_ROWS // LANES)
                def _ix(v):
                    fidx[pl.ds(v * LANES, LANES)] = iota + (fc * FILL_ROWS + v * LANES)

                pltpu.sync_copy(t2d, nt_sp.at[fidx])

        plsc.subcore_barrier()

        def cbase(t):
            return (wid + t * N_WORKERS) * CHUNK

        def d_idx(t, p):
            b = cbase(t)
            return (pltpu.make_async_copy(dst.at[pl.ds(b, CHUNK)], di[p], isem[p]),
                    pltpu.make_async_copy(src.at[pl.ds(b, CHUNK)], si[p], isem[p]))

        def d_sh(t, p):
            b = cbase(t)
            return pltpu.make_async_copy(
                sh.at[pl.ds(b * 3, CHUNK * 3)], shv[p], hsem[p])

        def d_gath(p):
            return (pltpu.make_async_copy(nt_sp.at[di[p]], drow[p], gsem[p]),
                    pltpu.make_async_copy(nt_sp.at[si[p]], srow[p], gsem[p]))

        def d_out(t, p):
            return pltpu.make_async_copy(
                outv[p], out.at[pl.ds(cbase(t), CHUNK)], osem[p])

        def compute(p):
            dr, sr, hv, ov = drow[p], srow[p], shv[p], outv[p]

            @pl.loop(0, CHUNK // LANES, unroll=4)
            def _vreg(v):
                rows = iota + v * LANES
                sx = plsc.load_gather(sr, [rows, c0])
                sy = plsc.load_gather(sr, [rows, c1])
                sz = plsc.load_gather(sr, [rows, c2])
                bf = plsc.load_gather(sr, [rows, c3])
                dx = plsc.load_gather(dr, [rows, c0])
                dy = plsc.load_gather(dr, [rows, c1])
                dz = plsc.load_gather(dr, [rows, c2])
                shb = lane3 + v * (LANES * 3)
                s0 = plsc.load_gather(hv, [shb])
                s1 = plsc.load_gather(hv, [shb + 1])
                s2 = plsc.load_gather(hv, [shb + 2])
                bb = bf.astype(jnp.int32) << 4
                l00 = plsc.load_gather(lat_v, [bb + 0])
                l01 = plsc.load_gather(lat_v, [bb + 1])
                l02 = plsc.load_gather(lat_v, [bb + 2])
                l10 = plsc.load_gather(lat_v, [bb + 3])
                l11 = plsc.load_gather(lat_v, [bb + 4])
                l12 = plsc.load_gather(lat_v, [bb + 5])
                l20 = plsc.load_gather(lat_v, [bb + 6])
                l21 = plsc.load_gather(lat_v, [bb + 7])
                l22 = plsc.load_gather(lat_v, [bb + 8])
                vx = dx - sx + (s0 * l00 + s1 * l10 + s2 * l20)
                vy = dy - sy + (s0 * l01 + s1 * l11 + s2 * l21)
                vz = dz - sz + (s0 * l02 + s1 * l12 + s2 * l22)
                ssq = vx * vx + vy * vy + vz * vz
                yi = jnp.int32(0x5F3759DF) - (plsc.bitcast(ssq, jnp.int32) >> 1)
                y = plsc.bitcast(yi, jnp.float32)
                y = y * (1.5 - 0.5 * ssq * y * y)
                y = y * (1.5 - 0.5 * ssq * y * y)
                ov[pl.ds(v * LANES, LANES)] = ssq * y

        n_lim = n_chunks

        a0, b0 = d_idx(0, 0)
        a0.start(); b0.start()
        d_sh(0, 0).start()
        a0.wait(); b0.wait()
        g0a, g0b = d_gath(0)
        g0a.start(); g0b.start()

        @pl.when(wid + N_WORKERS < n_lim)
        def _p1():
            a1, b1 = d_idx(1, 1)
            a1.start(); b1.start()
            d_sh(1, 1).start()

        def body(t, p):
            q = 1 - p
            g = wid + t * N_WORKERS

            @pl.when(g < n_lim)
            def _():
                ga, gb = d_gath(p)
                ga.wait(); gb.wait()

                @pl.when(g + N_WORKERS < n_lim)
                def _fg():
                    ia, ib = d_idx(t + 1, q)
                    ia.wait(); ib.wait()
                    na, nb = d_gath(q)
                    na.start(); nb.start()

                @pl.when(g + 2 * N_WORKERS < n_lim)
                def _fi():
                    ia, ib = d_idx(t + 2, p)
                    ia.start(); ib.start()

                d_sh(t, p).wait()

                @pl.when(t >= 2)
                def _wo():
                    d_out(t - 2, p).wait()

                compute(p)
                d_out(t, p).start()

                @pl.when(g + 2 * N_WORKERS < n_lim)
                def _fh():
                    d_sh(t + 2, p).start()

        @pl.loop(0, t_max // 2)
        def _pair(u):
            t0 = u * 2
            body(t0, 0)
            body(t0 + 1, 1)

        if t_max % 2:
            body(t_max - 1, (t_max - 1) % 2)

        for k in (t_max - 3, t_max - 2, t_max - 1):
            if k >= 0:
                gk = wid + k * N_WORKERS

                @pl.when((gk < n_lim) & (gk + 2 * N_WORKERS >= n_lim))
                def _d(k=k):
                    d_out(k, k % 2).wait()

    return dist_kernel


def kernel(pos, edge_index, edge_shift, lattice, batch_idx):
    n_edges = edge_index.shape[1]
    n_nodes = pos.shape[0]
    n_graphs = lattice.shape[0]
    n_fill = (n_nodes + FILL_ROWS - 1) // FILL_ROWS
    pad = n_fill * FILL_ROWS - n_nodes
    nt = jnp.concatenate(
        [pos, batch_idx.astype(jnp.float32)[:, None],
         jnp.zeros((n_nodes, 4), jnp.float32)], axis=1)
    ntf = jnp.pad(nt.reshape(-1), (0, pad * 8))
    lat_flat = jnp.pad(
        lattice.reshape(n_graphs, 9), ((0, 0), (0, LAT_STRIDE - 9))).reshape(-1)
    return _build(n_edges, n_nodes, n_graphs)(
        ntf, lat_flat, edge_index[0], edge_index[1], edge_shift.reshape(-1))

# --- scband reference (transcript-rebuilt; emitter-appended) ---
"""Pipeline reference for scband-base-mpnn-1597727834126 (READ-ONLY COPY).

The authoritative reference and input builder live on the scoring server;
editing this copy changes nothing except your own understanding.
"""

import jax, jax.numpy as jnp
import numpy as np

N_NODES = 100000
N_EDGES = 6400000
N_GRAPHS = 64


def setup_inputs(seed: int = 0) -> dict:
    key = jax.random.key(seed)
    k1, k2, k3, k4, k5 = jax.random.split(key, 5)
    pos = jax.random.normal(k1, (N_NODES, 3), dtype=jnp.float32)
    edge_index = jax.random.randint(k2, (2, N_EDGES), 0, N_NODES, dtype=jnp.int32)
    edge_shift = jax.random.normal(k3, (N_EDGES, 3), dtype=jnp.float32)
    lattice = jax.random.normal(k4, (N_GRAPHS, 3, 3), dtype=jnp.float32)
    batch_idx = jnp.sort(jax.random.randint(k5, (N_NODES,), 0, N_GRAPHS, dtype=jnp.int32))
    return {
        "pos": pos,
        "edge_index": edge_index,
        "edge_shift": edge_shift,
        "lattice": lattice,
        "batch_idx": batch_idx,
    }


def reference(pos, edge_index, edge_shift, lattice, batch_idx):
    # Faithful translation of BaseMPNN.calc_atomic_distances (return_vec=False).
    edge_dst = edge_index[0]
    edge_src = edge_index[1]
    # gather per-edge graph (batch) assignment via source node
    edge_batch = jnp.take(batch_idx, edge_src, axis=0)
    # periodic boundary shift: einsum('ni,nij->nj', edge_shift, lattice[edge_batch])
    lat_per_edge = jnp.take(lattice, edge_batch, axis=0)  # [E, 3, 3]
    shift_vec = jnp.einsum('ni,nij->nj', edge_shift, lat_per_edge)
    edge_vec = jnp.take(pos, edge_dst, axis=0) - jnp.take(pos, edge_src, axis=0) + shift_vec
    distance = jnp.linalg.norm(edge_vec, axis=1)
    return distance

if __name__ == "__main__":
    import jax
    _d = setup_inputs()
    print(jax.jit(kernel)(*tuple(_d.values())))

</pallas_src>

<mosaic_0001>
#map = affine_map<(d0, d1) -> (0)>
module attributes {stable_mosaic.version = 14 : i64} {
  func.func @dist_kernel(%arg0: i32, %arg1: i32, %arg2: memref<802816xf32, #tpu.memory_space<hbm>>, %arg3: memref<1024xf32, #tpu.memory_space<hbm>>, %arg4: memref<6400000xi32, #tpu.memory_space<hbm>>, %arg5: memref<6400000xi32, #tpu.memory_space<hbm>>, %arg6: memref<19200000xf32, #tpu.memory_space<hbm>>, %arg7: memref<6400000xf32, #tpu.memory_space<hbm>>, %arg8: memref<100352x8xf32, #tpu.memory_space<vmem_shared>>, %arg9: memref<1024xf32, #tpu.memory_space<vmem>>, %arg10: memref<4096xf32, #tpu.memory_space<vmem>>, %arg11: memref<512x8xf32, #tpu.memory_space<vmem>>, %arg12: memref<512xi32, #tpu.memory_space<vmem>>, %arg13: memref<1024xi32, #tpu.memory_space<vmem>>, %arg14: memref<1024xi32, #tpu.memory_space<vmem>>, %arg15: memref<1024xi32, #tpu.memory_space<vmem>>, %arg16: memref<1024xi32, #tpu.memory_space<vmem>>, %arg17: memref<3072xf32, #tpu.memory_space<vmem>>, %arg18: memref<3072xf32, #tpu.memory_space<vmem>>, %arg19: memref<1024x8xf32, #tpu.memory_space<vmem>>, %arg20: memref<1024x8xf32, #tpu.memory_space<vmem>>, %arg21: memref<1024x8xf32, #tpu.memory_space<vmem>>, %arg22: memref<1024x8xf32, #tpu.memory_space<vmem>>, %arg23: memref<1024xf32, #tpu.memory_space<vmem>>, %arg24: memref<1024xf32, #tpu.memory_space<vmem>>, %arg25: memref<!tpu.dma_semaphore, #tpu.memory_space<semaphore_mem>>, %arg26: memref<!tpu.dma_semaphore, #tpu.memory_space<semaphore_mem>>, %arg27: memref<!tpu.dma_semaphore, #tpu.memory_space<semaphore_mem>>, %arg28: memref<!tpu.dma_semaphore, #tpu.memory_space<semaphore_mem>>, %arg29: memref<!tpu.dma_semaphore, #tpu.memory_space<semaphore_mem>>, %arg30: memref<!tpu.dma_semaphore, #tpu.memory_space<semaphore_mem>>, %arg31: memref<!tpu.dma_semaphore, #tpu.memory_space<semaphore_mem>>, %arg32: memref<!tpu.dma_semaphore, #tpu.memory_space<semaphore_mem>>, %arg33: memref<!tpu.dma_semaphore, #tpu.memory_space<semaphore_mem>>) attributes {dimension_semantics = [#tpu.dimension_semantics<core_parallel>, #tpu.dimension_semantics<subcore_parallel>], iteration_bounds = array<i64: 2, 16>, scalar_prefetch = 0 : i64, scratch_operands = 26 : i64, tpu.core_type = #tpu.core_type<sc_vector_subcore>, window_params = [{transform_indices = #map}, {transform_indices = #map}, {transform_indices = #map}, {transform_indices = #map}, {transform_indices = #map}, {transform_indices = #map}]} {
    %mul3A = arith.constant 2 : i32
    %mul3A_0 = arith.muli %arg1, %mul3A : i32
    %add3A = arith.addi %mul3A_0, %arg0 : i32
    "tpu.region"() ({
      %run_scoped3A = tpu.sem_alloc : memref<!tpu.dma_semaphore, #tpu.memory_space<semaphore_mem>>
      tpu.enqueue_dma source(%arg3 : memref<1024xf32, #tpu.memory_space<hbm>>) target(%arg9 : memref<1024xf32, #tpu.memory_space<vmem>>) target_semaphore(%run_scoped3A : memref<!tpu.dma_semaphore, #tpu.memory_space<semaphore_mem>>)
      tpu.wait_dma2 semaphore(%run_scoped3A : memref<!tpu.dma_semaphore, #tpu.memory_space<semaphore_mem>>) src(%arg3 : memref<1024xf32, #tpu.memory_space<hbm>>) dst(%arg9 : memref<1024xf32, #tpu.memory_space<vmem>>)
      tpu.yield
    }) : () -> ()
    %iota3A = tpu.iota {dimensions = array<i32: 0>} : vector<16xi32>
    %mul3A_1 = arith.constant 3 : i32
    %mul3A_2 = vector.broadcast %mul3A_1 : i32 to vector<16xi32>
    %mul3A_3 = arith.muli %iota3A, %mul3A_2 : vector<16xi32>
    %shift_right_arithmetic3A = arith.constant 3 : i32
    %shift_right_arithmetic3A_4 = vector.broadcast %shift_right_arithmetic3A : i32 to vector<16xi32>
    %shift_right_arithmetic3A_5 = arith.shrsi %iota3A, %shift_right_arithmetic3A_4 : vector<16xi32>
    %and3A = arith.constant 7 : i32
    %and3A_6 = vector.broadcast %and3A : i32 to vector<16xi32>
    %and3A_7 = arith.andi %iota3A, %and3A_6 : vector<16xi32>
    %broadcast_in_dim3A = arith.constant 0 : i32
    %broadcast_in_dim3A_8 = vector.broadcast %broadcast_in_dim3A : i32 to vector<16xi32>
    %broadcast_in_dim3A_9 = arith.constant 1 : i32
    %broadcast_in_dim3A_10 = vector.broadcast %broadcast_in_dim3A_9 : i32 to vector<16xi32>
    %broadcast_in_dim3A_11 = arith.constant 2 : i32
    %broadcast_in_dim3A_12 = vector.broadcast %broadcast_in_dim3A_11 : i32 to vector<16xi32>
    %broadcast_in_dim3A_13 = arith.constant 3 : i32
    %broadcast_in_dim3A_14 = vector.broadcast %broadcast_in_dim3A_13 : i32 to vector<16xi32>
    %scan3A = arith.constant 0 : i32
    %scan3A_15 = arith.constant 13 : i32
    %scan3A_16 = arith.addi %scan3A, %scan3A_15 : i32
    %scan3A_17 = arith.constant 1 : i32
    scf.for %scan3A_87 = %scan3A to %scan3A_16 step %scan3A_17  : i32 {
      %mul3A_88 = arith.constant 1 : i32
      %mul3A_89 = arith.muli %scan3A_87, %mul3A_88 : i32
      %add3A_90 = arith.constant 0 : i32
      %add3A_91 = arith.addi %add3A_90, %mul3A_89 : i32
      %mul3A_92 = arith.constant 16 : i32
      %mul3A_93 = arith.muli %add3A_91, %mul3A_92 : i32
      %add3A_94 = arith.addi %arg1, %mul3A_93 : i32
      %lt3A_95 = arith.constant 196 : i32
      %lt3A_96 = arith.cmpi slt, %add3A_94, %lt3A_95 : i32
      %convert_element_type3A_97 = arith.extui %lt3A_96 : i1 to i32
      %cond3A_98 = arith.constant 0 : i32
      %cond3A_99 = arith.cmpi ne, %convert_element_type3A_97, %cond3A_98 : i32
      scf.if %cond3A_99 {
        %mul3A_100 = arith.constant 4096 : i32
        %mul3A_101 = arith.muli %add3A_94, %mul3A_100 : i32
        %dma_start3A_102 = tpu.memref_slice %arg2[%mul3A_101] : memref<802816xf32, #tpu.memory_space<hbm>> -> memref<4096xf32, #tpu.memory_space<hbm>>
        %dma_start3A_103 = tpu.memref_slice %arg2[%mul3A_101] : memref<802816xf32, #tpu.memory_space<hbm>> -> memref<4096xf32, #tpu.memory_space<hbm>>
        tpu.enqueue_dma source(%dma_start3A_103 : memref<4096xf32, #tpu.memory_space<hbm>>) target(%arg10 : memref<4096xf32, #tpu.memory_space<vmem>>) target_semaphore(%arg25 : memref<!tpu.dma_semaphore, #tpu.memory_space<semaphore_mem>>)
        %dma_wait3A_104 = tpu.memref_slice %arg2[%mul3A_101] : memref<802816xf32, #tpu.memory_space<hbm>> -> memref<4096xf32, #tpu.memory_space<hbm>>
        %dma_wait3A_105 = tpu.memref_slice %arg2[%mul3A_101] : memref<802816xf32, #tpu.memory_space<hbm>> -> memref<4096xf32, #tpu.memory_space<hbm>>
        tpu.wait_dma2 semaphore(%arg25 : memref<!tpu.dma_semaphore, #tpu.memory_space<semaphore_mem>>) src(%dma_wait3A_105 : memref<4096xf32, #tpu.memory_space<hbm>>) dst(%arg10 : memref<4096xf32, #tpu.memory_space<vmem>>)
        %scan3A_106 = arith.constant 0 : i32
        %scan3A_107 = arith.constant 256 : i32
        %scan3A_108 = arith.addi %scan3A_106, %scan3A_107 : i32
        %scan3A_109 = arith.constant 1 : i32
        scf.for %scan3A_116 = %scan3A_106 to %scan3A_108 step %scan3A_109  : i32 {
          %mul3A_117 = arith.constant 1 : i32
          %mul3A_118 = arith.muli %scan3A_116, %mul3A_117 : i32
          %add3A_119 = arith.constant 0 : i32
          %add3A_120 = arith.addi %add3A_119, %mul3A_118 : i32
          %mul3A_121 = arith.constant 16 : i32
          %mul3A_122 = arith.muli %add3A_120, %mul3A_121 : i32
          %get3A = arith.index_cast %mul3A_122 : i32 to index
          %get3A_123 = tpu.vector_load %arg10[%get3A] {strides = array<i32>} : memref<4096xf32, #tpu.memory_space<vmem>>, vector<16xf32>,
          %mul3A_124 = arith.constant 2 : i32
          %mul3A_125 = arith.muli %add3A_120, %mul3A_124 : i32
          %add3A_126 = vector.broadcast %mul3A_125 : i32 to vector<16xi32>
          %add3A_127 = arith.addi %shift_right_arithmetic3A_5, %add3A_126 : vector<16xi32>
          tpu.vector_store_idx %arg11[%add3A_127, %and3A_7], %get3A_123 : memref<512x8xf32, #tpu.memory_space<vmem>>[vector<16xi32>, vector<16xi32>], vector<16xf32>,
        }
        %scan3A_110 = arith.constant 256 : i32
        %scan3A_111 = arith.constant 0 : i32
        %scan3A_112 = arith.constant 32 : i32
        %scan3A_113 = arith.addi %scan3A_111, %scan3A_112 : i32
        %scan3A_114 = arith.constant 1 : i32
        scf.for %scan3A_116 = %scan3A_111 to %scan3A_113 step %scan3A_114  : i32 {
          %mul3A_117 = arith.constant 1 : i32
          %mul3A_118 = arith.muli %scan3A_116, %mul3A_117 : i32
          %add3A_119 = arith.constant 0 : i32
          %add3A_120 = arith.addi %add3A_119, %mul3A_118 : i32
          %mul3A_121 = arith.constant 512 : i32
          %mul3A_122 = arith.muli %add3A_94, %mul3A_121 : i32
          %mul3A_123 = arith.constant 16 : i32
          %mul3A_124 = arith.muli %add3A_120, %mul3A_123 : i32
          %add3A_125 = arith.addi %mul3A_122, %mul3A_124 : i32
          %add3A_126 = vector.broadcast %add3A_125 : i32 to vector<16xi32>
          %add3A_127 = arith.addi %iota3A, %add3A_126 : vector<16xi32>
          %mul3A_128 = arith.constant 16 : i32
          %mul3A_129 = arith.muli %add3A_120, %mul3A_128 : i32
          %swap3A = arith.index_cast %mul3A_129 : i32 to index
          %swap3A_130 = tpu.vector_load %arg12[%swap3A] {strides = array<i32>} : memref<512xi32, #tpu.memory_space<vmem>>, vector<16xi32>,
          tpu.vector_store %arg12[%swap3A], %add3A_127 {strides = array<i32>} : memref<512xi32, #tpu.memory_space<vmem>>, vector<16xi32>,
        }
        %scan3A_115 = arith.constant 32 : i32
        "tpu.region"() ({
          %run_scoped3A = tpu.sem_alloc : memref<!tpu.dma_semaphore, #tpu.memory_space<semaphore_mem>>
          %dma_start3A_116 = arith.constant 0 : i32
          %dma_start3A_117 = arith.constant 0 : i32
          %dma_start3A_118 = tpu.memref_slice %arg8[%dma_start3A_116, %dma_start3A_117] : memref<100352x8xf32, #tpu.memory_space<vmem_shared>> -> memref<100352x8xf32, #tpu.memory_space<vmem_shared>>
          tpu.enqueue_indirect_dma source(%arg11 : memref<512x8xf32, #tpu.memory_space<vmem>>) target(%dma_start3A_118 : memref<100352x8xf32, #tpu.memory_space<vmem_shared>>) offsets(%arg12 : memref<512xi32, #tpu.memory_space<vmem>>) semaphore(%run_scoped3A : memref<!tpu.dma_semaphore, #tpu.memory_space<semaphore_mem>>)
          %dma_wait3A_119 = arith.constant 0 : i32
          %dma_wait3A_120 = arith.constant 0 : i32
          %dma_wait3A_121 = tpu.memref_slice %arg8[%dma_wait3A_119, %dma_wait3A_120] : memref<100352x8xf32, #tpu.memory_space<vmem_shared>> -> memref<100352x8xf32, #tpu.memory_space<vmem_shared>>
          tpu.wait_indirect_dma semaphore(%run_scoped3A : memref<!tpu.dma_semaphore, #tpu.memory_space<semaphore_mem>>) src(%arg11 : memref<512x8xf32, #tpu.memory_space<vmem>>) dst(%dma_wait3A_121 : memref<100352x8xf32, #tpu.memory_space<vmem_shared>>)
          tpu.yield
        }) : () -> ()
      } else {
      }
    }
    %scan3A_18 = arith.constant 13 : i32
    %barrier3A = arith.constant 0 : index
    tpu.barrier barrier_id(%barrier3A)
    %add3A_19 = arith.constant 0 : i32
    %add3A_20 = arith.addi %add3A, %add3A_19 : i32
    %mul3A_21 = arith.constant 1024 : i32
    %mul3A_22 = arith.muli %add3A_20, %mul3A_21 : i32
    %dma_start3A = tpu.memref_slice %arg4[%mul3A_22] : memref<6400000xi32, #tpu.memory_space<hbm>> -> memref<1024xi32, #tpu.memory_space<hbm>>
    %dma_start3A_23 = tpu.memref_slice %arg4[%mul3A_22] : memref<6400000xi32, #tpu.memory_space<hbm>> -> memref<1024xi32, #tpu.memory_space<hbm>>
    tpu.enqueue_dma source(%dma_start3A_23 : memref<1024xi32, #tpu.memory_space<hbm>>) target(%arg13 : memref<1024xi32, #tpu.memory_space<vmem>>) target_semaphore(%arg26 : memref<!tpu.dma_semaphore, #tpu.memory_space<semaphore_mem>>)
    %dma_start3A_24 = tpu.memref_slice %arg5[%mul3A_22] : memref<6400000xi32, #tpu.memory_space<hbm>> -> memref<1024xi32, #tpu.memory_space<hbm>>
    %dma_start3A_25 = tpu.memref_slice %arg5[%mul3A_22] : memref<6400000xi32, #tpu.memory_space<hbm>> -> memref<1024xi32, #tpu.memory_space<hbm>>
    tpu.enqueue_dma source(%dma_start3A_25 : memref<1024xi32, #tpu.memory_space<hbm>>) target(%arg15 : memref<1024xi32, #tpu.memory_space<vmem>>) target_semaphore(%arg26 : memref<!tpu.dma_semaphore, #tpu.memory_space<semaphore_mem>>)
    %add3A_26 = arith.constant 0 : i32
    %add3A_27 = arith.addi %add3A, %add3A_26 : i32
    %mul3A_28 = arith.constant 1024 : i32
    %mul3A_29 = arith.muli %add3A_27, %mul3A_28 : i32
    %mul3A_30 = arith.constant 3 : i32
    %mul3A_31 = arith.muli %mul3A_29, %mul3A_30 : i32
    %dma_start3A_32 = tpu.memref_slice %arg6[%mul3A_31] : memref<19200000xf32, #tpu.memory_space<hbm>> -> memref<3072xf32, #tpu.memory_space<hbm>>
    %dma_start3A_33 = tpu.memref_slice %arg6[%mul3A_31] : memref<19200000xf32, #tpu.memory_space<hbm>> -> memref<3072xf32, #tpu.memory_space<hbm>>
    tpu.enqueue_dma source(%dma_start3A_33 : memref<3072xf32, #tpu.memory_space<hbm>>) target(%arg17 : memref<3072xf32, #tpu.memory_space<vmem>>) target_semaphore(%arg28 : memref<!tpu.dma_semaphore, #tpu.memory_space<semaphore_mem>>)
    %dma_wait3A = tpu.memref_slice %arg4[%mul3A_22] : memref<6400000xi32, #tpu.memory_space<hbm>> -> memref<1024xi32, #tpu.memory_space<hbm>>
    %dma_wait3A_34 = tpu.memref_slice %arg4[%mul3A_22] : memref<6400000xi32, #tpu.memory_space<hbm>> -> memref<1024xi32, #tpu.memory_space<hbm>>
    tpu.wait_dma2 semaphore(%arg26 : memref<!tpu.dma_semaphore, #tpu.memory_space<semaphore_mem>>) src(%dma_wait3A_34 : memref<1024xi32, #tpu.memory_space<hbm>>) dst(%arg13 : memref<1024xi32, #tpu.memory_space<vmem>>)
    %dma_wait3A_35 = tpu.memref_slice %arg5[%mul3A_22] : memref<6400000xi32, #tpu.memory_space<hbm>> -> memref<1024xi32, #tpu.memory_space<hbm>>
    %dma_wait3A_36 = tpu.memref_slice %arg5[%mul3A_22] : memref<6400000xi32, #tpu.memory_space<hbm>> -> memref<1024xi32, #tpu.memory_space<hbm>>
    tpu.wait_dma2 semaphore(%arg26 : memref<!tpu.dma_semaphore, #tpu.memory_space<semaphore_mem>>) src(%dma_wait3A_36 : memref<1024xi32, #tpu.memory_space<hbm>>) dst(%arg15 : memref<1024xi32, #tpu.memory_space<vmem>>)
    %dma_start3A_37 = arith.constant 0 : i32
    %dma_start3A_38 = arith.constant 0 : i32
    %dma_start3A_39 = tpu.memref_slice %arg8[%dma_start3A_37, %dma_start3A_38] : memref<100352x8xf32, #tpu.memory_space<vmem_shared>> -> memref<100352x8xf32, #tpu.memory_space<vmem_shared>>
    tpu.enqueue_indirect_dma source(%dma_start3A_39 : memref<100352x8xf32, #tpu.memory_space<vmem_shared>>) target(%arg19 : memref<1024x8xf32, #tpu.memory_space<vmem>>) offsets(%arg13 : memref<1024xi32, #tpu.memory_space<vmem>>) semaphore(%arg30 : memref<!tpu.dma_semaphore, #tpu.memory_space<semaphore_mem>>)
    %dma_start3A_40 = arith.constant 0 : i32
    %dma_start3A_41 = arith.constant 0 : i32
    %dma_start3A_42 = tpu.memref_slice %arg8[%dma_start3A_40, %dma_start3A_41] : memref<100352x8xf32, #tpu.memory_space<vmem_shared>> -> memref<100352x8xf32, #tpu.memory_space<vmem_shared>>
    tpu.enqueue_indirect_dma source(%dma_start3A_42 : memref<100352x8xf32, #tpu.memory_space<vmem_shared>>) target(%arg21 : memref<1024x8xf32, #tpu.memory_space<vmem>>) offsets(%arg15 : memref<1024xi32, #tpu.memory_space<vmem>>) semaphore(%arg30 : memref<!tpu.dma_semaphore, #tpu.memory_space<semaphore_mem>>)
    %add3A_43 = arith.constant 32 : i32
    %add3A_44 = arith.addi %add3A, %add3A_43 : i32
    %lt3A = arith.constant 6250 : i32
    %lt3A_45 = arith.cmpi slt, %add3A_44, %lt3A : i32
    %convert_element_type3A = arith.extui %lt3A_45 : i1 to i32
    %cond3A = arith.constant 0 : i32
    %cond3A_46 = arith.cmpi ne, %convert_element_type3A, %cond3A : i32
    scf.if %cond3A_46 {
      %add3A_87 = arith.constant 32 : i32
      %add3A_88 = arith.addi %add3A, %add3A_87 : i32
      %mul3A_89 = arith.constant 1024 : i32
      %mul3A_90 = arith.muli %add3A_88, %mul3A_89 : i32
      %dma_start3A_91 = tpu.memref_slice %arg4[%mul3A_90] : memref<6400000xi32, #tpu.memory_space<hbm>> -> memref<1024xi32, #tpu.memory_space<hbm>>
      %dma_start3A_92 = tpu.memref_slice %arg4[%mul3A_90] : memref<6400000xi32, #tpu.memory_space<hbm>> -> memref<1024xi32, #tpu.memory_space<hbm>>
      tpu.enqueue_dma source(%dma_start3A_92 : memref<1024xi32, #tpu.memory_space<hbm>>) target(%arg14 : memref<1024xi32, #tpu.memory_space<vmem>>) target_semaphore(%arg27 : memref<!tpu.dma_semaphore, #tpu.memory_space<semaphore_mem>>)
      %dma_start3A_93 = tpu.memref_slice %arg5[%mul3A_90] : memref<6400000xi32, #tpu.memory_space<hbm>> -> memref<1024xi32, #tpu.memory_space<hbm>>
      %dma_start3A_94 = tpu.memref_slice %arg5[%mul3A_90] : memref<6400000xi32, #tpu.memory_space<hbm>> -> memref<1024xi32, #tpu.memory_space<hbm>>
      tpu.enqueue_dma source(%dma_start3A_94 : memref<1024xi32, #tpu.memory_space<hbm>>) target(%arg16 : memref<1024xi32, #tpu.memory_space<vmem>>) target_semaphore(%arg27 : memref<!tpu.dma_semaphore, #tpu.memory_space<semaphore_mem>>)
      %add3A_95 = arith.constant 32 : i32
      %add3A_96 = arith.addi %add3A, %add3A_95 : i32
      %mul3A_97 = arith.constant 1024 : i32
      %mul3A_98 = arith.muli %add3A_96, %mul3A_97 : i32
      %mul3A_99 = arith.constant 3 : i32
      %mul3A_100 = arith.muli %mul3A_98, %mul3A_99 : i32
      %dma_start3A_101 = tpu.memref_slice %arg6[%mul3A_100] : memref<19200000xf32, #tpu.memory_space<hbm>> -> memref<3072xf32, #tpu.memory_space<hbm>>
      %dma_start3A_102 = tpu.memref_slice %arg6[%mul3A_100] : memref<19200000xf32, #tpu.memory_space<hbm>> -> memref<3072xf32, #tpu.memory_space<hbm>>
      tpu.enqueue_dma source(%dma_start3A_102 : memref<3072xf32, #tpu.memory_space<hbm>>) target(%arg18 : memref<3072xf32, #tpu.memory_space<vmem>>) target_semaphore(%arg29 : memref<!tpu.dma_semaphore, #tpu.memory_space<semaphore_mem>>)
    } else {
    }
    %scan3A_47 = arith.constant 0 : i32
    %scan3A_48 = arith.constant 98 : i32
    %scan3A_49 = arith.addi %scan3A_47, %scan3A_48 : i32
    %scan3A_50 = arith.constant 1 : i32
    scf.for %scan3A_87 = %scan3A_47 to %scan3A_49 step %scan3A_50  : i32 {
      %mul3A_88 = arith.constant 1 : i32
      %mul3A_89 = arith.muli %scan3A_87, %mul3A_88 : i32
      %add3A_90 = arith.constant 0 : i32
      %add3A_91 = arith.addi %add3A_90, %mul3A_89 : i32
      %mul3A_92 = arith.constant 2 : i32
      %mul3A_93 = arith.muli %add3A_91, %mul3A_92 : i32
      %mul3A_94 = arith.constant 32 : i32
      %mul3A_95 = arith.muli %mul3A_93, %mul3A_94 : i32
      %add3A_96 = arith.addi %add3A, %mul3A_95 : i32
      %lt3A_97 = arith.constant 6250 : i32
      %lt3A_98 = arith.cmpi slt, %add3A_96, %lt3A_97 : i32
      %convert_element_type3A_99 = arith.extui %lt3A_98 : i1 to i32
      %cond3A_100 = arith.constant 0 : i32
      %cond3A_101 = arith.cmpi ne, %convert_element_type3A_99, %cond3A_100 : i32
      scf.if %cond3A_101 {
        %dma_wait3A_112 = arith.constant 0 : i32
        %dma_wait3A_113 = arith.constant 0 : i32
        %dma_wait3A_114 = tpu.memref_slice %arg8[%dma_wait3A_112, %dma_wait3A_113] : memref<100352x8xf32, #tpu.memory_space<vmem_shared>> -> memref<100352x8xf32, #tpu.memory_space<vmem_shared>>
        tpu.wait_indirect_dma semaphore(%arg30 : memref<!tpu.dma_semaphore, #tpu.memory_space<semaphore_mem>>) src(%dma_wait3A_114 : memref<100352x8xf32, #tpu.memory_space<vmem_shared>>) dst(%arg19 : memref<1024x8xf32, #tpu.memory_space<vmem>>)
        %dma_wait3A_115 = arith.constant 0 : i32
        %dma_wait3A_116 = arith.constant 0 : i32
        %dma_wait3A_117 = tpu.memref_slice %arg8[%dma_wait3A_115, %dma_wait3A_116] : memref<100352x8xf32, #tpu.memory_space<vmem_shared>> -> memref<100352x8xf32, #tpu.memory_space<vmem_shared>>
        tpu.wait_indirect_dma semaphore(%arg30 : memref<!tpu.dma_semaphore, #tpu.memory_space<semaphore_mem>>) src(%dma_wait3A_117 : memref<100352x8xf32, #tpu.memory_space<vmem_shared>>) dst(%arg21 : memref<1024x8xf32, #tpu.memory_space<vmem>>)
        %add3A_118 = arith.constant 32 : i32
        %add3A_119 = arith.addi %add3A_96, %add3A_118 : i32
        %lt3A_120 = arith.constant 6250 : i32
        %lt3A_121 = arith.cmpi slt, %add3A_119, %lt3A_120 : i32
        %convert_element_type3A_122 = arith.extui %lt3A_121 : i1 to i32
        %cond3A_123 = arith.constant 0 : i32
        %cond3A_124 = arith.cmpi ne, %convert_element_type3A_122, %cond3A_123 : i32
        scf.if %cond3A_124 {
          %add3A_165 = arith.constant 1 : i32
          %add3A_166 = arith.addi %mul3A_93, %add3A_165 : i32
          %mul3A_167 = arith.constant 32 : i32
          %mul3A_168 = arith.muli %add3A_166, %mul3A_167 : i32
          %add3A_169 = arith.addi %add3A, %mul3A_168 : i32
          %mul3A_170 = arith.constant 1024 : i32
          %mul3A_171 = arith.muli %add3A_169, %mul3A_170 : i32
          %dma_wait3A_172 = tpu.memref_slice %arg4[%mul3A_171] : memref<6400000xi32, #tpu.memory_space<hbm>> -> memref<1024xi32, #tpu.memory_space<hbm>>
          %dma_wait3A_173 = tpu.memref_slice %arg4[%mul3A_171] : memref<6400000xi32, #tpu.memory_space<hbm>> -> memref<1024xi32, #tpu.memory_space<hbm>>
          tpu.wait_dma2 semaphore(%arg27 : memref<!tpu.dma_semaphore, #tpu.memory_space<semaphore_mem>>) src(%dma_wait3A_173 : memref<1024xi32, #tpu.memory_space<hbm>>) dst(%arg14 : memref<1024xi32, #tpu.memory_space<vmem>>)
          %dma_wait3A_174 = tpu.memref_slice %arg5[%mul3A_171] : memref<6400000xi32, #tpu.memory_space<hbm>> -> memref<1024xi32, #tpu.memory_space<hbm>>
          %dma_wait3A_175 = tpu.memref_slice %arg5[%mul3A_171] : memref<6400000xi32, #tpu.memory_space<hbm>> -> memref<1024xi32, #tpu.memory_space<hbm>>
          tpu.wait_dma2 semaphore(%arg27 : memref<!tpu.dma_semaphore, #tpu.memory_space<semaphore_mem>>) src(%dma_wait3A_175 : memref<1024xi32, #tpu.memory_space<hbm>>) dst(%arg16 : memref<1024xi32, #tpu.memory_space<vmem>>)
          %dma_start3A_176 = arith.constant 0 : i32
          %dma_start3A_177 = arith.constant 0 : i32
          %dma_start3A_178 = tpu.memref_slice %arg8[%dma_start3A_176, %dma_start3A_177] : memref<100352x8xf32, #tpu.memory_space<vmem_shared>> -> memref<100352x8xf32, #tpu.memory_space<vmem_shared>>
          tpu.enqueue_indirect_dma source(%dma_start3A_178 : memref<100352x8xf32, #tpu.memory_space<vmem_shared>>) target(%arg20 : memref<1024x8xf32, #tpu.memory_space<vmem>>) offsets(%arg14 : memref<1024xi32, #tpu.memory_space<vmem>>) semaphore(%arg31 : memref<!tpu.dma_semaphore, #tpu.memory_space<semaphore_mem>>)
          %dma_start3A_179 = arith.constant 0 : i32
          %dma_start3A_180 = arith.constant 0 : i32
          %dma_start3A_181 = tpu.memref_slice %arg8[%dma_start3A_179, %dma_start3A_180] : memref<100352x8xf32, #tpu.memory_space<vmem_shared>> -> memref<100352x8xf32, #tpu.memory_space<vmem_shared>>
          tpu.enqueue_indirect_dma source(%dma_start3A_181 : memref<100352x8xf32, #tpu.memory_space<vmem_shared>>) target(%arg22 : memref<1024x8xf32, #tpu.memory_space<vmem>>) offsets(%arg16 : memref<1024xi32, #tpu.memory_space<vmem>>) semaphore(%arg31 : memref<!tpu.dma_semaphore, #tpu.memory_space<semaphore_mem>>)
        } else {
        }
        %add3A_125 = arith.constant 64 : i32
        %add3A_126 = arith.addi %add3A_96, %add3A_125 : i32
        %lt3A_127 = arith.constant 6250 : i32
        %lt3A_128 = arith.cmpi slt, %add3A_126, %lt3A_127 : i32
        %convert_element_type3A_129 = arith.extui %lt3A_128 : i1 to i32
        %cond3A_130 = arith.constant 0 : i32
        %cond3A_131 = arith.cmpi ne, %convert_element_type3A_129, %cond3A_130 : i32
        scf.if %cond3A_131 {
          %add3A_165 = arith.constant 2 : i32
          %add3A_166 = arith.addi %mul3A_93, %add3A_165 : i32
          %mul3A_167 = arith.constant 32 : i32
          %mul3A_168 = arith.muli %add3A_166, %mul3A_167 : i32
          %add3A_169 = arith.addi %add3A, %mul3A_168 : i32
          %mul3A_170 = arith.constant 1024 : i32
          %mul3A_171 = arith.muli %add3A_169, %mul3A_170 : i32
          %dma_start3A_172 = tpu.memref_slice %arg4[%mul3A_171] : memref<6400000xi32, #tpu.memory_space<hbm>> -> memref<1024xi32, #tpu.memory_space<hbm>>
          %dma_start3A_173 = tpu.memref_slice %arg4[%mul3A_171] : memref<6400000xi32, #tpu.memory_space<hbm>> -> memref<1024xi32, #tpu.memory_space<hbm>>
          tpu.enqueue_dma source(%dma_start3A_173 : memref<1024xi32, #tpu.memory_space<hbm>>) target(%arg13 : memref<1024xi32, #tpu.memory_space<vmem>>) target_semaphore(%arg26 : memref<!tpu.dma_semaphore, #tpu.memory_space<semaphore_mem>>)
          %dma_start3A_174 = tpu.memref_slice %arg5[%mul3A_171] : memref<6400000xi32, #tpu.memory_space<hbm>> -> memref<1024xi32, #tpu.memory_space<hbm>>
          %dma_start3A_175 = tpu.memref_slice %arg5[%mul3A_171] : memref<6400000xi32, #tpu.memory_space<hbm>> -> memref<1024xi32, #tpu.memory_space<hbm>>
          tpu.enqueue_dma source(%dma_start3A_175 : memref<1024xi32, #tpu.memory_space<hbm>>) target(%arg15 : memref<1024xi32, #tpu.memory_space<vmem>>) target_semaphore(%arg26 : memref<!tpu.dma_semaphore, #tpu.memory_space<semaphore_mem>>)
        } else {
        }
        %mul3A_132 = arith.constant 32 : i32
        %mul3A_133 = arith.muli %mul3A_93, %mul3A_132 : i32
        %add3A_134 = arith.addi %add3A, %mul3A_133 : i32
        %mul3A_135 = arith.constant 1024 : i32
        %mul3A_136 = arith.muli %add3A_134, %mul3A_135 : i32
        %mul3A_137 = arith.constant 3 : i32
        %mul3A_138 = arith.muli %mul3A_136, %mul3A_137 : i32
        %dma_wait3A_139 = tpu.memref_slice %arg6[%mul3A_138] : memref<19200000xf32, #tpu.memory_space<hbm>> -> memref<3072xf32, #tpu.memory_space<hbm>>
        %dma_wait3A_140 = tpu.memref_slice %arg6[%mul3A_138] : memref<19200000xf32, #tpu.memory_space<hbm>> -> memref<3072xf32, #tpu.memory_space<hbm>>
        tpu.wait_dma2 semaphore(%arg28 : memref<!tpu.dma_semaphore, #tpu.memory_space<semaphore_mem>>) src(%dma_wait3A_140 : memref<3072xf32, #tpu.memory_space<hbm>>) dst(%arg17 : memref<3072xf32, #tpu.memory_space<vmem>>)
        %ge3A_141 = arith.constant 2 : i32
        %ge3A_142 = arith.cmpi sge, %mul3A_93, %ge3A_141 : i32
        %convert_element_type3A_143 = arith.extui %ge3A_142 : i1 to i32
        %cond3A_144 = arith.constant 0 : i32
        %cond3A_145 = arith.cmpi ne, %convert_element_type3A_143, %cond3A_144 : i32
        scf.if %cond3A_145 {
          %sub3A = arith.constant 2 : i32
          %sub3A_165 = arith.subi %mul3A_93, %sub3A : i32
          %mul3A_166 = arith.constant 32 : i32
          %mul3A_167 = arith.muli %sub3A_165, %mul3A_166 : i32
          %add3A_168 = arith.addi %add3A, %mul3A_167 : i32
          %mul3A_169 = arith.constant 1024 : i32
          %mul3A_170 = arith.muli %add3A_168, %mul3A_169 : i32
          %dma_wait3A_171 = tpu.memref_slice %arg7[%mul3A_170] : memref<6400000xf32, #tpu.memory_space<hbm>> -> memref<1024xf32, #tpu.memory_space<hbm>>
          %dma_wait3A_172 = tpu.memref_slice %arg7[%mul3A_170] : memref<6400000xf32, #tpu.memory_space<hbm>> -> memref<1024xf32, #tpu.memory_space<hbm>>
          tpu.wait_dma2 semaphore(%arg32 : memref<!tpu.dma_semaphore, #tpu.memory_space<semaphore_mem>>) src(%arg23 : memref<1024xf32, #tpu.memory_space<vmem>>) dst(%dma_wait3A_172 : memref<1024xf32, #tpu.memory_space<hbm>>)
        } else {
        }
        %scan3A_146 = arith.constant 0 : i32
        %scan3A_147 = arith.constant 64 : i32
        %scan3A_148 = arith.addi %scan3A_146, %scan3A_147 : i32
        %scan3A_149 = arith.constant 4 : i32
        scf.for %scan3A_165 = %scan3A_146 to %scan3A_148 step %scan3A_149  : i32 {
          %mul3A_166 = arith.constant 1 : i32
          %mul3A_167 = arith.muli %scan3A_165, %mul3A_166 : i32
          %add3A_168 = arith.constant 0 : i32
          %add3A_169 = arith.addi %add3A_168, %mul3A_167 : i32
          %mul3A_170 = arith.constant 16 : i32
          %mul3A_171 = arith.muli %add3A_169, %mul3A_170 : i32
          %add3A_172 = vector.broadcast %mul3A_171 : i32 to vector<16xi32>
          %add3A_173 = arith.addi %iota3A, %add3A_172 : vector<16xi32>
          %gather3A = tpu.vector_load_idx %arg21[%add3A_173, %broadcast_in_dim3A_8] : memref<1024x8xf32, #tpu.memory_space<vmem>>[vector<16xi32>, vector<16xi32>], vector<16xf32>,
          %gather3A_174 = tpu.vector_load_idx %arg21[%add3A_173, %broadcast_in_dim3A_10] : memref<1024x8xf32, #tpu.memory_space<vmem>>[vector<16xi32>, vector<16xi32>], vector<16xf32>,
          %gather3A_175 = tpu.vector_load_idx %arg21[%add3A_173, %broadcast_in_dim3A_12] : memref<1024x8xf32, #tpu.memory_space<vmem>>[vector<16xi32>, vector<16xi32>], vector<16xf32>,
          %gather3A_176 = tpu.vector_load_idx %arg21[%add3A_173, %broadcast_in_dim3A_14] : memref<1024x8xf32, #tpu.memory_space<vmem>>[vector<16xi32>, vector<16xi32>], vector<16xf32>,
          %gather3A_177 = tpu.vector_load_idx %arg19[%add3A_173, %broadcast_in_dim3A_8] : memref<1024x8xf32, #tpu.memory_space<vmem>>[vector<16xi32>, vector<16xi32>], vector<16xf32>,
          %gather3A_178 = tpu.vector_load_idx %arg19[%add3A_173, %broadcast_in_dim3A_10] : memref<1024x8xf32, #tpu.memory_space<vmem>>[vector<16xi32>, vector<16xi32>], vector<16xf32>,
          %gather3A_179 = tpu.vector_load_idx %arg19[%add3A_173, %broadcast_in_dim3A_12] : memref<1024x8xf32, #tpu.memory_space<vmem>>[vector<16xi32>, vector<16xi32>], vector<16xf32>,
          %mul3A_180 = arith.constant 48 : i32
          %mul3A_181 = arith.muli %add3A_169, %mul3A_180 : i32
          %add3A_182 = vector.broadcast %mul3A_181 : i32 to vector<16xi32>
          %add3A_183 = arith.addi %mul3A_3, %add3A_182 : vector<16xi32>
          %gather3A_184 = tpu.vector_load_idx %arg17[%add3A_183] : memref<3072xf32, #tpu.memory_space<vmem>>[vector<16xi32>], vector<16xf32>,
          %add3A_185 = arith.constant 1 : i32
          %add3A_186 = vector.broadcast %add3A_185 : i32 to vector<16xi32>
          %add3A_187 = arith.addi %add3A_183, %add3A_186 : vector<16xi32>
          %gather3A_188 = tpu.vector_load_idx %arg17[%add3A_187] : memref<3072xf32, #tpu.memory_space<vmem>>[vector<16xi32>], vector<16xf32>,
          %add3A_189 = arith.constant 2 : i32
          %add3A_190 = vector.broadcast %add3A_189 : i32 to vector<16xi32>
          %add3A_191 = arith.addi %add3A_183, %add3A_190 : vector<16xi32>
          %gather3A_192 = tpu.vector_load_idx %arg17[%add3A_191] : memref<3072xf32, #tpu.memory_space<vmem>>[vector<16xi32>], vector<16xf32>,
          %convert_element_type3A_193 = arith.fptosi %gather3A_176 : vector<16xf32> to vector<16xi32>
          %shift_left3A = arith.constant 4 : i32
          %shift_left3A_194 = vector.broadcast %shift_left3A : i32 to vector<16xi32>
          %shift_left3A_195 = arith.shli %convert_element_type3A_193, %shift_left3A_194 : vector<16xi32>
          %add3A_196 = arith.constant 0 : i32
          %add3A_197 = vector.broadcast %add3A_196 : i32 to vector<16xi32>
          %add3A_198 = arith.addi %shift_left3A_195, %add3A_197 : vector<16xi32>
          %gather3A_199 = tpu.vector_load_idx %arg9[%add3A_198] : memref<1024xf32, #tpu.memory_space<vmem>>[vector<16xi32>], vector<16xf32>,
          %add3A_200 = arith.constant 1 : i32
          %add3A_201 = vector.broadcast %add3A_200 : i32 to vector<16xi32>
          %add3A_202 = arith.addi %shift_left3A_195, %add3A_201 : vector<16xi32>
          %gather3A_203 = tpu.vector_load_idx %arg9[%add3A_202] : memref<1024xf32, #tpu.memory_space<vmem>>[vector<16xi32>], vector<16xf32>,
          %add3A_204 = arith.constant 2 : i32
          %add3A_205 = vector.broadcast %add3A_204 : i32 to vector<16xi32>
          %add3A_206 = arith.addi %shift_left3A_195, %add3A_205 : vector<16xi32>
          %gather3A_207 = tpu.vector_load_idx %arg9[%add3A_206] : memref<1024xf32, #tpu.memory_space<vmem>>[vector<16xi32>], vector<16xf32>,
          %add3A_208 = arith.constant 3 : i32
          %add3A_209 = vector.broadcast %add3A_208 : i32 to vector<16xi32>
          %add3A_210 = arith.addi %shift_left3A_195, %add3A_209 : vector<16xi32>
          %gather3A_211 = tpu.vector_load_idx %arg9[%add3A_210] : memref<1024xf32, #tpu.memory_space<vmem>>[vector<16xi32>], vector<16xf32>,
          %add3A_212 = arith.constant 4 : i32
          %add3A_213 = vector.broadcast %add3A_212 : i32 to vector<16xi32>
          %add3A_214 = arith.addi %shift_left3A_195, %add3A_213 : vector<16xi32>
          %gather3A_215 = tpu.vector_load_idx %arg9[%add3A_214] : memref<1024xf32, #tpu.memory_space<vmem>>[vector<16xi32>], vector<16xf32>,
          %add3A_216 = arith.constant 5 : i32
          %add3A_217 = vector.broadcast %add3A_216 : i32 to vector<16xi32>
          %add3A_218 = arith.addi %shift_left3A_195, %add3A_217 : vector<16xi32>
          %gather3A_219 = tpu.vector_load_idx %arg9[%add3A_218] : memref<1024xf32, #tpu.memory_space<vmem>>[vector<16xi32>], vector<16xf32>,
          %add3A_220 = arith.constant 6 : i32
          %add3A_221 = vector.broadcast %add3A_220 : i32 to vector<16xi32>
          %add3A_222 = arith.addi %shift_left3A_195, %add3A_221 : vector<16xi32>
          %gather3A_223 = tpu.vector_load_idx %arg9[%add3A_222] : memref<1024xf32, #tpu.memory_space<vmem>>[vector<16xi32>], vector<16xf32>,
          %add3A_224 = arith.constant 7 : i32
          %add3A_225 = vector.broadcast %add3A_224 : i32 to vector<16xi32>
          %add3A_226 = arith.addi %shift_left3A_195, %add3A_225 : vector<16xi32>
          %gather3A_227 = tpu.vector_load_idx %arg9[%add3A_226] : memref<1024xf32, #tpu.memory_space<vmem>>[vector<16xi32>], vector<16xf32>,
          %add3A_228 = arith.constant 8 : i32
          %add3A_229 = vector.broadcast %add3A_228 : i32 to vector<16xi32>
          %add3A_230 = arith.addi %shift_left3A_195, %add3A_229 : vector<16xi32>
          %gather3A_231 = tpu.vector_load_idx %arg9[%add3A_230] : memref<1024xf32, #tpu.memory_space<vmem>>[vector<16xi32>], vector<16xf32>,
          %sub3A = arith.subf %gather3A_177, %gather3A : vector<16xf32>
          %mul3A_232 = arith.mulf %gather3A_184, %gather3A_199 : vector<16xf32>
          %mul3A_233 = arith.mulf %gather3A_188, %gather3A_211 : vector<16xf32>
          %add3A_234 = arith.addf %mul3A_232, %mul3A_233 : vector<16xf32>
          %mul3A_235 = arith.mulf %gather3A_192, %gather3A_223 : vector<16xf32>
          %add3A_236 = arith.addf %add3A_234, %mul3A_235 : vector<16xf32>
          %add3A_237 = arith.addf %sub3A, %add3A_236 : vector<16xf32>
          %sub3A_238 = arith.subf %gather3A_178, %gather3A_174 : vector<16xf32>
          %mul3A_239 = arith.mulf %gather3A_184, %gather3A_203 : vector<16xf32>
          %mul3A_240 = arith.mulf %gather3A_188, %gather3A_215 : vector<16xf32>
          %add3A_241 = arith.addf %mul3A_239, %mul3A_240 : vector<16xf32>
          %mul3A_242 = arith.mulf %gather3A_192, %gather3A_227 : vector<16xf32>
          %add3A_243 = arith.addf %add3A_241, %mul3A_242 : vector<16xf32>
          %add3A_244 = arith.addf %sub3A_238, %add3A_243 : vector<16xf32>
          %sub3A_245 = arith.subf %gather3A_179, %gather3A_175 : vector<16xf32>
          %mul3A_246 = arith.mulf %gather3A_184, %gather3A_207 : vector<16xf32>
          %mul3A_247 = arith.mulf %gather3A_188, %gather3A_219 : vector<16xf32>
          %add3A_248 = arith.addf %mul3A_246, %mul3A_247 : vector<16xf32>
          %mul3A_249 = arith.mulf %gather3A_192, %gather3A_231 : vector<16xf32>
          %add3A_250 = arith.addf %add3A_248, %mul3A_249 : vector<16xf32>
          %add3A_251 = arith.addf %sub3A_245, %add3A_250 : vector<16xf32>
          %mul3A_252 = arith.mulf %add3A_237, %add3A_237 : vector<16xf32>
          %mul3A_253 = arith.mulf %add3A_244, %add3A_244 : vector<16xf32>
          %add3A_254 = arith.addf %mul3A_252, %mul3A_253 : vector<16xf32>
          %mul3A_255 = arith.mulf %add3A_251, %add3A_251 : vector<16xf32>
          %add3A_256 = arith.addf %add3A_254, %mul3A_255 : vector<16xf32>
          %bitcast3A = vector.bitcast %add3A_256 : vector<16xf32> to vector<16xi32>
          %shift_right_arithmetic3A_257 = arith.constant 1 : i32
          %shift_right_arithmetic3A_258 = vector.broadcast %shift_right_arithmetic3A_257 : i32 to vector<16xi32>
          %shift_right_arithmetic3A_259 = arith.shrsi %bitcast3A, %shift_right_arithmetic3A_258 : vector<16xi32>
          %sub3A_260 = arith.constant 1597463007 : i32
          %sub3A_261 = vector.broadcast %sub3A_260 : i32 to vector<16xi32>
          %sub3A_262 = arith.subi %sub3A_261, %shift_right_arithmetic3A_259 : vector<16xi32>
          %bitcast3A_263 = vector.bitcast %sub3A_262 : vector<16xi32> to vector<16xf32>
          %mul3A_264 = arith.constant 5.000000e-01 : f32
          %mul3A_265 = vector.broadcast %mul3A_264 : f32 to vector<16xf32>
          %mul3A_266 = arith.mulf %mul3A_265, %add3A_256 : vector<16xf32>
          %mul3A_267 = arith.mulf %mul3A_266, %bitcast3A_263 : vector<16xf32>
          %mul3A_268 = arith.mulf %mul3A_267, %bitcast3A_263 : vector<16xf32>
          %sub3A_269 = arith.constant 1.500000e+00 : f32
          %sub3A_270 = vector.broadcast %sub3A_269 : f32 to vector<16xf32>
          %sub3A_271 = arith.subf %sub3A_270, %mul3A_268 : vector<16xf32>
          %mul3A_272 = arith.mulf %bitcast3A_263, %sub3A_271 : vector<16xf32>
          %mul3A_273 = arith.constant 5.000000e-01 : f32
          %mul3A_274 = vector.broadcast %mul3A_273 : f32 to vector<16xf32>
          %mul3A_275 = arith.mulf %mul3A_274, %add3A_256 : vector<16xf32>
          %mul3A_276 = arith.mulf %mul3A_275, %mul3A_272 : vector<16xf32>
          %mul3A_277 = arith.mulf %mul3A_276, %mul3A_272 : vector<16xf32>
          %sub3A_278 = arith.constant 1.500000e+00 : f32
          %sub3A_279 = vector.broadcast %sub3A_278 : f32 to vector<16xf32>
          %sub3A_280 = arith.subf %sub3A_279, %mul3A_277 : vector<16xf32>
          %mul3A_281 = arith.mulf %mul3A_272, %sub3A_280 : vector<16xf32>
          %mul3A_282 = arith.mulf %add3A_256, %mul3A_281 : vector<16xf32>
          %mul3A_283 = arith.constant 16 : i32
          %mul3A_284 = arith.muli %add3A_169, %mul3A_283 : i32
          %swap3A = arith.index_cast %mul3A_284 : i32 to index
          %swap3A_285 = tpu.vector_load %arg23[%swap3A] {strides = array<i32>} : memref<1024xf32, #tpu.memory_space<vmem>>, vector<16xf32>,
          tpu.vector_store %arg23[%swap3A], %mul3A_282 {strides = array<i32>} : memref<1024xf32, #tpu.memory_space<vmem>>, vector<16xf32>,
          %scan3A_286 = arith.constant 1 : i32
          %scan3A_287 = arith.addi %scan3A_165, %scan3A_286 : i32
          %mul3A_288 = arith.constant 1 : i32
          %mul3A_289 = arith.muli %scan3A_287, %mul3A_288 : i32
          %add3A_290 = arith.constant 0 : i32
          %add3A_291 = arith.addi %add3A_290, %mul3A_289 : i32
          %mul3A_292 = arith.constant 16 : i32
          %mul3A_293 = arith.muli %add3A_291, %mul3A_292 : i32
          %add3A_294 = vector.broadcast %mul3A_293 : i32 to vector<16xi32>
          %add3A_295 = arith.addi %iota3A, %add3A_294 : vector<16xi32>
          %gather3A_296 = tpu.vector_load_idx %arg21[%add3A_295, %broadcast_in_dim3A_8] : memref<1024x8xf32, #tpu.memory_space<vmem>>[vector<16xi32>, vector<16xi32>], vector<16xf32>,
          %gather3A_297 = tpu.vector_load_idx %arg21[%add3A_295, %broadcast_in_dim3A_10] : memref<1024x8xf32, #tpu.memory_space<vmem>>[vector<16xi32>, vector<16xi32>], vector<16xf32>,
          %gather3A_298 = tpu.vector_load_idx %arg21[%add3A_295, %broadcast_in_dim3A_12] : memref<1024x8xf32, #tpu.memory_space<vmem>>[vector<16xi32>, vector<16xi32>], vector<16xf32>,
          %gather3A_299 = tpu.vector_load_idx %arg21[%add3A_295, %broadcast_in_dim3A_14] : memref<1024x8xf32, #tpu.memory_space<vmem>>[vector<16xi32>, vector<16xi32>], vector<16xf32>,
          %gather3A_300 = tpu.vector_load_idx %arg19[%add3A_295, %broadcast_in_dim3A_8] : memref<1024x8xf32, #tpu.memory_space<vmem>>[vector<16xi32>, vector<16xi32>], vector<16xf32>,
          %gather3A_301 = tpu.vector_load_idx %arg19[%add3A_295, %broadcast_in_dim3A_10] : memref<1024x8xf32, #tpu.memory_space<vmem>>[vector<16xi32>, vector<16xi32>], vector<16xf32>,
          %gather3A_302 = tpu.vector_load_idx %arg19[%add3A_295, %broadcast_in_dim3A_12] : memref<1024x8xf32, #tpu.memory_space<vmem>>[vector<16xi32>, vector<16xi32>], vector<16xf32>,
          %mul3A_303 = arith.constant 48 : i32
          %mul3A_304 = arith.muli %add3A_291, %mul3A_303 : i32
          %add3A_305 = vector.broadcast %mul3A_304 : i32 to vector<16xi32>
          %add3A_306 = arith.addi %mul3A_3, %add3A_305 : vector<16xi32>
          %gather3A_307 = tpu.vector_load_idx %arg17[%add3A_306] : memref<3072xf32, #tpu.memory_space<vmem>>[vector<16xi32>], vector<16xf32>,
          %add3A_308 = arith.constant 1 : i32
          %add3A_309 = vector.broadcast %add3A_308 : i32 to vector<16xi32>
          %add3A_310 = arith.addi %add3A_306, %add3A_309 : vector<16xi32>
          %gather3A_311 = tpu.vector_load_idx %arg17[%add3A_310] : memref<3072xf32, #tpu.memory_space<vmem>>[vector<16xi32>], vector<16xf32>,
          %add3A_312 = arith.constant 2 : i32
          %add3A_313 = vector.broadcast %add3A_312 : i32 to vector<16xi32>
          %add3A_314 = arith.addi %add3A_306, %add3A_313 : vector<16xi32>
          %gather3A_315 = tpu.vector_load_idx %arg17[%add3A_314] : memref<3072xf32, #tpu.memory_space<vmem>>[vector<16xi32>], vector<16xf32>,
          %convert_element_type3A_316 = arith.fptosi %gather3A_299 : vector<16xf32> to vector<16xi32>
          %shift_left3A_317 = arith.constant 4 : i32
          %shift_left3A_318 = vector.broadcast %shift_left3A_317 : i32 to vector<16xi32>
          %shift_left3A_319 = arith.shli %convert_element_type3A_316, %shift_left3A_318 : vector<16xi32>
          %add3A_320 = arith.constant 0 : i32
          %add3A_321 = vector.broadcast %add3A_320 : i32 to vector<16xi32>
          %add3A_322 = arith.addi %shift_left3A_319, %add3A_321 : vector<16xi32>
          %gather3A_323 = tpu.vector_load_idx %arg9[%add3A_322] : memref<1024xf32, #tpu.memory_space<vmem>>[vector<16xi32>], vector<16xf32>,
          %add3A_324 = arith.constant 1 : i32
          %add3A_325 = vector.broadcast %add3A_324 : i32 to vector<16xi32>
          %add3A_326 = arith.addi %shift_left3A_319, %add3A_325 : vector<16xi32>
          %gather3A_327 = tpu.vector_load_idx %arg9[%add3A_326] : memref<1024xf32, #tpu.memory_space<vmem>>[vector<16xi32>], vector<16xf32>,
          %add3A_328 = arith.constant 2 : i32
          %add3A_329 = vector.broadcast %add3A_328 : i32 to vector<16xi32>
          %add3A_330 = arith.addi %shift_left3A_319, %add3A_329 : vector<16xi32>
          %gather3A_331 = tpu.vector_load_idx %arg9[%add3A_330] : memref<1024xf32, #tpu.memory_space<vmem>>[vector<16xi32>], vector<16xf32>,
          %add3A_332 = arith.constant 3 : i32
          %add3A_333 = vector.broadcast %add3A_332 : i32 to vector<16xi32>
          %add3A_334 = arith.addi %shift_left3A_319, %add3A_333 : vector<16xi32>
          %gather3A_335 = tpu.vector_load_idx %arg9[%add3A_334] : memref<1024xf32, #tpu.memory_space<vmem>>[vector<16xi32>], vector<16xf32>,
          %add3A_336 = arith.constant 4 : i32
          %add3A_337 = vector.broadcast %add3A_336 : i32 to vector<16xi32>
          %add3A_338 = arith.addi %shift_left3A_319, %add3A_337 : vector<16xi32>
          %gather3A_339 = tpu.vector_load_idx %arg9[%add3A_338] : memref<1024xf32, #tpu.memory_space<vmem>>[vector<16xi32>], vector<16xf32>,
          %add3A_340 = arith.constant 5 : i32
          %add3A_341 = vector.broadcast %add3A_340 : i32 to vector<16xi32>
          %add3A_342 = arith.addi %shift_left3A_319, %add3A_341 : vector<16xi32>
          %gather3A_343 = tpu.vector_load_idx %arg9[%add3A_342] : memref<1024xf32, #tpu.memory_space<vmem>>[vector<16xi32>], vector<16xf32>,
          %add3A_344 = arith.constant 6 : i32
          %add3A_345 = vector.broadcast %add3A_344 : i32 to vector<16xi32>
          %add3A_346 = arith.addi %shift_left3A_319, %add3A_345 : vector<16xi32>
          %gather3A_347 = tpu.vector_load_idx %arg9[%add3A_346] : memref<1024xf32, #tpu.memory_space<vmem>>[vector<16xi32>], vector<16xf32>,
          %add3A_348 = arith.constant 7 : i32
          %add3A_349 = vector.broadcast %add3A_348 : i32 to vector<16xi32>
          %add3A_350 = arith.addi %shift_left3A_319, %add3A_349 : vector<16xi32>
          %gather3A_351 = tpu.vector_load_idx %arg9[%add3A_350] : memref<1024xf32, #tpu.memory_space<vmem>>[vector<16xi32>], vector<16xf32>,
          %add3A_352 = arith.constant 8 : i32
          %add3A_353 = vector.broadcast %add3A_352 : i32 to vector<16xi32>
          %add3A_354 = arith.addi %shift_left3A_319, %add3A_353 : vector<16xi32>
          %gather3A_355 = tpu.vector_load_idx %arg9[%add3A_354] : memref<1024xf32, #tpu.memory_space<vmem>>[vector<16xi32>], vector<16xf32>,
          %sub3A_356 = arith.subf %gather3A_300, %gather3A_296 : vector<16xf32>
          %mul3A_357 = arith.mulf %gather3A_307, %gather3A_323 : vector<16xf32>
          %mul3A_358 = arith.mulf %gather3A_311, %gather3A_335 : vector<16xf32>
          %add3A_359 = arith.addf %mul3A_357, %mul3A_358 : vector<16xf32>
          %mul3A_360 = arith.mulf %gather3A_315, %gather3A_347 : vector<16xf32>
          %add3A_361 = arith.addf %add3A_359, %mul3A_360 : vector<16xf32>
          %add3A_362 = arith.addf %sub3A_356, %add3A_361 : vector<16xf32>
          %sub3A_363 = arith.subf %gather3A_301, %gather3A_297 : vector<16xf32>
          %mul3A_364 = arith.mulf %gather3A_307, %gather3A_327 : vector<16xf32>
          %mul3A_365 = arith.mulf %gather3A_311, %gather3A_339 : vector<16xf32>
          %add3A_366 = arith.addf %mul3A_364, %mul3A_365 : vector<16xf32>
          %mul3A_367 = arith.mulf %gather3A_315, %gather3A_351 : vector<16xf32>
          %add3A_368 = arith.addf %add3A_366, %mul3A_367 : vector<16xf32>
          %add3A_369 = arith.addf %sub3A_363, %add3A_368 : vector<16xf32>
          %sub3A_370 = arith.subf %gather3A_302, %gather3A_298 : vector<16xf32>
          %mul3A_371 = arith.mulf %gather3A_307, %gather3A_331 : vector<16xf32>
          %mul3A_372 = arith.mulf %gather3A_311, %gather3A_343 : vector<16xf32>
          %add3A_373 = arith.addf %mul3A_371, %mul3A_372 : vector<16xf32>
          %mul3A_374 = arith.mulf %gather3A_315, %gather3A_355 : vector<16xf32>
          %add3A_375 = arith.addf %add3A_373, %mul3A_374 : vector<16xf32>
          %add3A_376 = arith.addf %sub3A_370, %add3A_375 : vector<16xf32>
          %mul3A_377 = arith.mulf %add3A_362, %add3A_362 : vector<16xf32>
          %mul3A_378 = arith.mulf %add3A_369, %add3A_369 : vector<16xf32>
          %add3A_379 = arith.addf %mul3A_377, %mul3A_378 : vector<16xf32>
          %mul3A_380 = arith.mulf %add3A_376, %add3A_376 : vector<16xf32>
          %add3A_381 = arith.addf %add3A_379, %mul3A_380 : vector<16xf32>
          %bitcast3A_382 = vector.bitcast %add3A_381 : vector<16xf32> to vector<16xi32>
          %shift_right_arithmetic3A_383 = arith.constant 1 : i32
          %shift_right_arithmetic3A_384 = vector.broadcast %shift_right_arithmetic3A_383 : i32 to vector<16xi32>
          %shift_right_arithmetic3A_385 = arith.shrsi %bitcast3A_382, %shift_right_arithmetic3A_384 : vector<16xi32>
          %sub3A_386 = arith.constant 1597463007 : i32
          %sub3A_387 = vector.broadcast %sub3A_386 : i32 to vector<16xi32>
          %sub3A_388 = arith.subi %sub3A_387, %shift_right_arithmetic3A_385 : vector<16xi32>
          %bitcast3A_389 = vector.bitcast %sub3A_388 : vector<16xi32> to vector<16xf32>
          %mul3A_390 = arith.constant 5.000000e-01 : f32
          %mul3A_391 = vector.broadcast %mul3A_390 : f32 to vector<16xf32>
          %mul3A_392 = arith.mulf %mul3A_391, %add3A_381 : vector<16xf32>
          %mul3A_393 = arith.mulf %mul3A_392, %bitcast3A_389 : vector<16xf32>
          %mul3A_394 = arith.mulf %mul3A_393, %bitcast3A_389 : vector<16xf32>
          %sub3A_395 = arith.constant 1.500000e+00 : f32
          %sub3A_396 = vector.broadcast %sub3A_395 : f32 to vector<16xf32>
          %sub3A_397 = arith.subf %sub3A_396, %mul3A_394 : vector<16xf32>
          %mul3A_398 = arith.mulf %bitcast3A_389, %sub3A_397 : vector<16xf32>
          %mul3A_399 = arith.constant 5.000000e-01 : f32
          %mul3A_400 = vector.broadcast %mul3A_399 : f32 to vector<16xf32>
          %mul3A_401 = arith.mulf %mul3A_400, %add3A_381 : vector<16xf32>
          %mul3A_402 = arith.mulf %mul3A_401, %mul3A_398 : vector<16xf32>
          %mul3A_403 = arith.mulf %mul3A_402, %mul3A_398 : vector<16xf32>
          %sub3A_404 = arith.constant 1.500000e+00 : f32
          %sub3A_405 = vector.broadcast %sub3A_404 : f32 to vector<16xf32>
          %sub3A_406 = arith.subf %sub3A_405, %mul3A_403 : vector<16xf32>
          %mul3A_407 = arith.mulf %mul3A_398, %sub3A_406 : vector<16xf32>
          %mul3A_408 = arith.mulf %add3A_381, %mul3A_407 : vector<16xf32>
          %mul3A_409 = arith.constant 16 : i32
          %mul3A_410 = arith.muli %add3A_291, %mul3A_409 : i32
          %swap3A_411 = arith.index_cast %mul3A_410 : i32 to index
          %swap3A_412 = tpu.vector_load %arg23[%swap3A_411] {strides = array<i32>} : memref<1024xf32, #tpu.memory_space<vmem>>, vector<16xf32>,
          tpu.vector_store %arg23[%swap3A_411], %mul3A_408 {strides = array<i32>} : memref<1024xf32, #tpu.memory_space<vmem>>, vector<16xf32>,
          %scan3A_413 = arith.constant 2 : i32
          %scan3A_414 = arith.addi %scan3A_165, %scan3A_413 : i32
          %mul3A_415 = arith.constant 1 : i32
          %mul3A_416 = arith.muli %scan3A_414, %mul3A_415 : i32
          %add3A_417 = arith.constant 0 : i32
          %add3A_418 = arith.addi %add3A_417, %mul3A_416 : i32
          %mul3A_419 = arith.constant 16 : i32
          %mul3A_420 = arith.muli %add3A_418, %mul3A_419 : i32
          %add3A_421 = vector.broadcast %mul3A_420 : i32 to vector<16xi32>
          %add3A_422 = arith.addi %iota3A, %add3A_421 : vector<16xi32>
          %gather3A_423 = tpu.vector_load_idx %arg21[%add3A_422, %broadcast_in_dim3A_8] : memref<1024x8xf32, #tpu.memory_space<vmem>>[vector<16xi32>, vector<16xi32>], vector<16xf32>,
          %gather3A_424 = tpu.vector_load_idx %arg21[%add3A_422, %broadcast_in_dim3A_10] : memref<1024x8xf32, #tpu.memory_space<vmem>>[vector<16xi32>, vector<16xi32>], vector<16xf32>,
          %gather3A_425 = tpu.vector_load_idx %arg21[%add3A_422, %broadcast_in_dim3A_12] : memref<1024x8xf32, #tpu.memory_space<vmem>>[vector<16xi32>, vector<16xi32>], vector<16xf32>,
          %gather3A_426 = tpu.vector_load_idx %arg21[%add3A_422, %broadcast_in_dim3A_14] : memref<1024x8xf32, #tpu.memory_space<vmem>>[vector<16xi32>, vector<16xi32>], vector<16xf32>,
          %gather3A_427 = tpu.vector_load_idx %arg19[%add3A_422, %broadcast_in_dim3A_8] : memref<1024x8xf32, #tpu.memory_space<vmem>>[vector<16xi32>, vector<16xi32>], vector<16xf32>,
          %gather3A_428 = tpu.vector_load_idx %arg19[%add3A_422, %broadcast_in_dim3A_10] : memref<1024x8xf32, #tpu.memory_space<vmem>>[vector<16xi32>, vector<16xi32>], vector<16xf32>,
          %gather3A_429 = tpu.vector_load_idx %arg19[%add3A_422, %broadcast_in_dim3A_12] : memref<1024x8xf32, #tpu.memory_space<vmem>>[vector<16xi32>, vector<16xi32>], vector<16xf32>,
          %mul3A_430 = arith.constant 48 : i32
          %mul3A_431 = arith.muli %add3A_418, %mul3A_430 : i32
          %add3A_432 = vector.broadcast %mul3A_431 : i32 to vector<16xi32>
          %add3A_433 = arith.addi %mul3A_3, %add3A_432 : vector<16xi32>
          %gather3A_434 = tpu.vector_load_idx %arg17[%add3A_433] : memref<3072xf32, #tpu.memory_space<vmem>>[vector<16xi32>], vector<16xf32>,
          %add3A_435 = arith.constant 1 : i32
          %add3A_436 = vector.broadcast %add3A_435 : i32 to vector<16xi32>
          %add3A_437 = arith.addi %add3A_433, %add3A_436 : vector<16xi32>
          %gather3A_438 = tpu.vector_load_idx %arg17[%add3A_437] : memref<3072xf32, #tpu.memory_space<vmem>>[vector<16xi32>], vector<16xf32>,
          %add3A_439 = arith.constant 2 : i32
          %add3A_440 = vector.broadcast %add3A_439 : i32 to vector<16xi32>
          %add3A_441 = arith.addi %add3A_433, %add3A_440 : vector<16xi32>
          %gather3A_442 = tpu.vector_load_idx %arg17[%add3A_441] : memref<3072xf32, #tpu.memory_space<vmem>>[vector<16xi32>], vector<16xf32>,
          %convert_element_type3A_443 = arith.fptosi %gather3A_426 : vector<16xf32> to vector<16xi32>
          %shift_left3A_444 = arith.constant 4 : i32
          %shift_left3A_445 = vector.broadcast %shift_left3A_444 : i32 to vector<16xi32>
          %shift_left3A_446 = arith.shli %convert_element_type3A_443, %shift_left3A_445 : vector<16xi32>
          %add3A_447 = arith.constant 0 : i32
          %add3A_448 = vector.broadcast %add3A_447 : i32 to vector<16xi32>
          %add3A_449 = arith.addi %shift_left3A_446, %add3A_448 : vector<16xi32>
          %gather3A_450 = tpu.vector_load_idx %arg9[%add3A_449] : memref<1024xf32, #tpu.memory_space<vmem>>[vector<16xi32>], vector<16xf32>,
          %add3A_451 = arith.constant 1 : i32
          %add3A_452 = vector.broadcast %add3A_451 : i32 to vector<16xi32>
          %add3A_453 = arith.addi %shift_left3A_446, %add3A_452 : vector<16xi32>
          %gather3A_454 = tpu.vector_load_idx %arg9[%add3A_453] : memref<1024xf32, #tpu.memory_space<vmem>>[vector<16xi32>], vector<16xf32>,
          %add3A_455 = arith.constant 2 : i32
          %add3A_456 = vector.broadcast %add3A_455 : i32 to vector<16xi32>
          %add3A_457 = arith.addi %shift_left3A_446, %add3A_456 : vector<16xi32>
          %gather3A_458 = tpu.vector_load_idx %arg9[%add3A_457] : memref<1024xf32, #tpu.memory_space<vmem>>[vector<16xi32>], vector<16xf32>,
          %add3A_459 = arith.constant 3 : i32
          %add3A_460 = vector.broadcast %add3A_459 : i32 to vector<16xi32>
          %add3A_461 = arith.addi %shift_left3A_446, %add3A_460 : vector<16xi32>
          %gather3A_462 = tpu.vector_load_idx %arg9[%add3A_461] : memref<1024xf32, #tpu.memory_space<vmem>>[vector<16xi32>], vector<16xf32>,
          %add3A_463 = arith.constant 4 : i32
          %add3A_464 = vector.broadcast %add3A_463 : i32 to vector<16xi32>
          %add3A_465 = arith.addi %shift_left3A_446, %add3A_464 : vector<16xi32>
          %gather3A_466 = tpu.vector_load_idx %arg9[%add3A_465] : memref<1024xf32, #tpu.memory_space<vmem>>[vector<16xi32>], vector<16xf32>,
          %add3A_467 = arith.constant 5 : i32
          %add3A_468 = vector.broadcast %add3A_467 : i32 to vector<16xi32>
          %add3A_469 = arith.addi %shift_left3A_446, %add3A_468 : vector<16xi32>
          %gather3A_470 = tpu.vector_load_idx %arg9[%add3A_469] : memref<1024xf32, #tpu.memory_space<vmem>>[vector<16xi32>], vector<16xf32>,
          %add3A_471 = arith.constant 6 : i32
          %add3A_472 = vector.broadcast %add3A_471 : i32 to vector<16xi32>
          %add3A_473 = arith.addi %shift_left3A_446, %add3A_472 : vector<16xi32>
          %gather3A_474 = tpu.vector_load_idx %arg9[%add3A_473] : memref<1024xf32, #tpu.memory_space<vmem>>[vector<16xi32>], vector<16xf32>,
          %add3A_475 = arith.constant 7 : i32
          %add3A_476 = vector.broadcast %add3A_475 : i32 to vector<16xi32>
          %add3A_477 = arith.addi %shift_left3A_446, %add3A_476 : vector<16xi32>
          %gather3A_478 = tpu.vector_load_idx %arg9[%add3A_477] : memref<1024xf32, #tpu.memory_space<vmem>>[vector<16xi32>], vector<16xf32>,
          %add3A_479 = arith.constant 8 : i32
          %add3A_480 = vector.broadcast %add3A_479 : i32 to vector<16xi32>
          %add3A_481 = arith.addi %shift_left3A_446, %add3A_480 : vector<16xi32>
          %gather3A_482 = tpu.vector_load_idx %arg9[%add3A_481] : memref<1024xf32, #tpu.memory_space<vmem>>[vector<16xi32>], vector<16xf32>,
          %sub3A_483 = arith.subf %gather3A_427, %gather3A_423 : vector<16xf32>
          %mul3A_484 = arith.mulf %gather3A_434, %gather3A_450 : vector<16xf32>
          %mul3A_485 = arith.mulf %gather3A_438, %gather3A_462 : vector<16xf32>
          %add3A_486 = arith.addf %mul3A_484, %mul3A_485 : vector<16xf32>
          %mul3A_487 = arith.mulf %gather3A_442, %gather3A_474 : vector<16xf32>
          %add3A_488 = arith.addf %add3A_486, %mul3A_487 : vector<16xf32>
          %add3A_489 = arith.addf %sub3A_483, %add3A_488 : vector<16xf32>
          %sub3A_490 = arith.subf %gather3A_428, %gather3A_424 : vector<16xf32>
          %mul3A_491 = arith.mulf %gather3A_434, %gather3A_454 : vector<16xf32>
          %mul3A_492 = arith.mulf %gather3A_438, %gather3A_466 : vector<16xf32>
          %add3A_493 = arith.addf %mul3A_491, %mul3A_492 : vector<16xf32>
          %mul3A_494 = arith.mulf %gather3A_442, %gather3A_478 : vector<16xf32>
          %add3A_495 = arith.addf %add3A_493, %mul3A_494 : vector<16xf32>
          %add3A_496 = arith.addf %sub3A_490, %add3A_495 : vector<16xf32>
          %sub3A_497 = arith.subf %gather3A_429, %gather3A_425 : vector<16xf32>
          %mul3A_498 = arith.mulf %gather3A_434, %gather3A_458 : vector<16xf32>
          %mul3A_499 = arith.mulf %gather3A_438, %gather3A_470 : vector<16xf32>
          %add3A_500 = arith.addf %mul3A_498, %mul3A_499 : vector<16xf32>
          %mul3A_501 = arith.mulf %gather3A_442, %gather3A_482 : vector<16xf32>
          %add3A_502 = arith.addf %add3A_500, %mul3A_501 : vector<16xf32>
          %add3A_503 = arith.addf %sub3A_497, %add3A_502 : vector<16xf32>
          %mul3A_504 = arith.mulf %add3A_489, %add3A_489 : vector<16xf32>
          %mul3A_505 = arith.mulf %add3A_496, %add3A_496 : vector<16xf32>
          %add3A_506 = arith.addf %mul3A_504, %mul3A_505 : vector<16xf32>
          %mul3A_507 = arith.mulf %add3A_503, %add3A_503 : vector<16xf32>
          %add3A_508 = arith.addf %add3A_506, %mul3A_507 : vector<16xf32>
          %bitcast3A_509 = vector.bitcast %add3A_508 : vector<16xf32> to vector<16xi32>
          %shift_right_arithmetic3A_510 = arith.constant 1 : i32
          %shift_right_arithmetic3A_511 = vector.broadcast %shift_right_arithmetic3A_510 : i32 to vector<16xi32>
          %shift_right_arithmetic3A_512 = arith.shrsi %bitcast3A_509, %shift_right_arithmetic3A_511 : vector<16xi32>
          %sub3A_513 = arith.constant 1597463007 : i32
          %sub3A_514 = vector.broadcast %sub3A_513 : i32 to vector<16xi32>
          %sub3A_515 = arith.subi %sub3A_514, %shift_right_arithmetic3A_512 : vector<16xi32>
          %bitcast3A_516 = vector.bitcast %sub3A_515 : vector<16xi32> to vector<16xf32>
          %mul3A_517 = arith.constant 5.000000e-01 : f32
          %mul3A_518 = vector.broadcast %mul3A_517 : f32 to vector<16xf32>
          %mul3A_519 = arith.mulf %mul3A_518, %add3A_508 : vector<16xf32>
          %mul3A_520 = arith.mulf %mul3A_519, %bitcast3A_516 : vector<16xf32>
          %mul3A_521 = arith.mulf %mul3A_520, %bitcast3A_516 : vector<16xf32>
          %sub3A_522 = arith.constant 1.500000e+00 : f32
          %sub3A_523 = vector.broadcast %sub3A_522 : f32 to vector<16xf32>
          %sub3A_524 = arith.subf %sub3A_523, %mul3A_521 : vector<16xf32>
          %mul3A_525 = arith.mulf %bitcast3A_516, %sub3A_524 : vector<16xf32>
          %mul3A_526 = arith.constant 5.000000e-01 : f32
          %mul3A_527 = vector.broadcast %mul3A_526 : f32 to vector<16xf32>
          %mul3A_528 = arith.mulf %mul3A_527, %add3A_508 : vector<16xf32>
          %mul3A_529 = arith.mulf %mul3A_528, %mul3A_525 : vector<16xf32>
          %mul3A_530 = arith.mulf %mul3A_529, %mul3A_525 : vector<16xf32>
          %sub3A_531 = arith.constant 1.500000e+00 : f32
          %sub3A_532 = vector.broadcast %sub3A_531 : f32 to vector<16xf32>
          %sub3A_533 = arith.subf %sub3A_532, %mul3A_530 : vector<16xf32>
          %mul3A_534 = arith.mulf %mul3A_525, %sub3A_533 : vector<16xf32>
          %mul3A_535 = arith.mulf %add3A_508, %mul3A_534 : vector<16xf32>
          %mul3A_536 = arith.constant 16 : i32
          %mul3A_537 = arith.muli %add3A_418, %mul3A_536 : i32
          %swap3A_538 = arith.index_cast %mul3A_537 : i32 to index
          %swap3A_539 = tpu.vector_load %arg23[%swap3A_538] {strides = array<i32>} : memref<1024xf32, #tpu.memory_space<vmem>>, vector<16xf32>,
          tpu.vector_store %arg23[%swap3A_538], %mul3A_535 {strides = array<i32>} : memref<1024xf32, #tpu.memory_space<vmem>>, vector<16xf32>,
          %scan3A_540 = arith.constant 3 : i32
          %scan3A_541 = arith.addi %scan3A_165, %scan3A_540 : i32
          %mul3A_542 = arith.constant 1 : i32
          %mul3A_543 = arith.muli %scan3A_541, %mul3A_542 : i32
          %add3A_544 = arith.constant 0 : i32
          %add3A_545 = arith.addi %add3A_544, %mul3A_543 : i32
          %mul3A_546 = arith.constant 16 : i32
          %mul3A_547 = arith.muli %add3A_545, %mul3A_546 : i32
          %add3A_548 = vector.broadcast %mul3A_547 : i32 to vector<16xi32>
          %add3A_549 = arith.addi %iota3A, %add3A_548 : vector<16xi32>
          %gather3A_550 = tpu.vector_load_idx %arg21[%add3A_549, %broadcast_in_dim3A_8] : memref<1024x8xf32, #tpu.memory_space<vmem>>[vector<16xi32>, vector<16xi32>], vector<16xf32>,
          %gather3A_551 = tpu.vector_load_idx %arg21[%add3A_549, %broadcast_in_dim3A_10] : memref<1024x8xf32, #tpu.memory_space<vmem>>[vector<16xi32>, vector<16xi32>], vector<16xf32>,
          %gather3A_552 = tpu.vector_load_idx %arg21[%add3A_549, %broadcast_in_dim3A_12] : memref<1024x8xf32, #tpu.memory_space<vmem>>[vector<16xi32>, vector<16xi32>], vector<16xf32>,
          %gather3A_553 = tpu.vector_load_idx %arg21[%add3A_549, %broadcast_in_dim3A_14] : memref<1024x8xf32, #tpu.memory_space<vmem>>[vector<16xi32>, vector<16xi32>], vector<16xf32>,
          %gather3A_554 = tpu.vector_load_idx %arg19[%add3A_549, %broadcast_in_dim3A_8] : memref<1024x8xf32, #tpu.memory_space<vmem>>[vector<16xi32>, vector<16xi32>], vector<16xf32>,
          %gather3A_555 = tpu.vector_load_idx %arg19[%add3A_549, %broadcast_in_dim3A_10] : memref<1024x8xf32, #tpu.memory_space<vmem>>[vector<16xi32>, vector<16xi32>], vector<16xf32>,
          %gather3A_556 = tpu.vector_load_idx %arg19[%add3A_549, %broadcast_in_dim3A_12] : memref<1024x8xf32, #tpu.memory_space<vmem>>[vector<16xi32>, vector<16xi32>], vector<16xf32>,
          %mul3A_557 = arith.constant 48 : i32
          %mul3A_558 = arith.muli %add3A_545, %mul3A_557 : i32
          %add3A_559 = vector.broadcast %mul3A_558 : i32 to vector<16xi32>
          %add3A_560 = arith.addi %mul3A_3, %add3A_559 : vector<16xi32>
          %gather3A_561 = tpu.vector_load_idx %arg17[%add3A_560] : memref<3072xf32, #tpu.memory_space<vmem>>[vector<16xi32>], vector<16xf32>,
          %add3A_562 = arith.constant 1 : i32
          %add3A_563 = vector.broadcast %add3A_562 : i32 to vector<16xi32>
          %add3A_564 = arith.addi %add3A_560, %add3A_563 : vector<16xi32>
          %gather3A_565 = tpu.vector_load_idx %arg17[%add3A_564] : memref<3072xf32, #tpu.memory_space<vmem>>[vector<16xi32>], vector<16xf32>,
          %add3A_566 = arith.constant 2 : i32
          %add3A_567 = vector.broadcast %add3A_566 : i32 to vector<16xi32>
          %add3A_568 = arith.addi %add3A_560, %add3A_567 : vector<16xi32>
          %gather3A_569 = tpu.vector_load_idx %arg17[%add3A_568] : memref<3072xf32, #tpu.memory_space<vmem>>[vector<16xi32>], vector<16xf32>,
          %convert_element_type3A_570 = arith.fptosi %gather3A_553 : vector<16xf32> to vector<16xi32>
          %shift_left3A_571 = arith.constant 4 : i32
          %shift_left3A_572 = vector.broadcast %shift_left3A_571 : i32 to vector<16xi32>
          %shift_left3A_573 = arith.shli %convert_element_type3A_570, %shift_left3A_572 : vector<16xi32>
          %add3A_574 = arith.constant 0 : i32
          %add3A_575 = vector.broadcast %add3A_574 : i32 to vector<16xi32>
          %add3A_576 = arith.addi %shift_left3A_573, %add3A_575 : vector<16xi32>
          %gather3A_577 = tpu.vector_load_idx %arg9[%add3A_576] : memref<1024xf32, #tpu.memory_space<vmem>>[vector<16xi32>], vector<16xf32>,
          %add3A_578 = arith.constant 1 : i32
          %add3A_579 = vector.broadcast %add3A_578 : i32 to vector<16xi32>
          %add3A_580 = arith.addi %shift_left3A_573, %add3A_579 : vector<16xi32>
          %gather3A_581 = tpu.vector_load_idx %arg9[%add3A_580] : memref<1024xf32, #tpu.memory_space<vmem>>[vector<16xi32>], vector<16xf32>,
          %add3A_582 = arith.constant 2 : i32
          %add3A_583 = vector.broadcast %add3A_582 : i32 to vector<16xi32>
          %add3A_584 = arith.addi %shift_left3A_573, %add3A_583 : vector<16xi32>
          %gather3A_585 = tpu.vector_load_idx %arg9[%add3A_584] : memref<1024xf32, #tpu.memory_space<vmem>>[vector<16xi32>], vector<16xf32>,
          %add3A_586 = arith.constant 3 : i32
          %add3A_587 = vector.broadcast %add3A_586 : i32 to vector<16xi32>
          %add3A_588 = arith.addi %shift_left3A_573, %add3A_587 : vector<16xi32>
          %gather3A_589 = tpu.vector_load_idx %arg9[%add3A_588] : memref<1024xf32, #tpu.memory_space<vmem>>[vector<16xi32>], vector<16xf32>,
          %add3A_590 = arith.constant 4 : i32
          %add3A_591 = vector.broadcast %add3A_590 : i32 to vector<16xi32>
          %add3A_592 = arith.addi %shift_left3A_573, %add3A_591 : vector<16xi32>
          %gather3A_593 = tpu.vector_load_idx %arg9[%add3A_592] : memref<1024xf32, #tpu.memory_space<vmem>>[vector<16xi32>], vector<16xf32>,
          %add3A_594 = arith.constant 5 : i32
          %add3A_595 = vector.broadcast %add3A_594 : i32 to vector<16xi32>
          %add3A_596 = arith.addi %shift_left3A_573, %add3A_595 : vector<16xi32>
          %gather3A_597 = tpu.vector_load_idx %arg9[%add3A_596] : memref<1024xf32, #tpu.memory_space<vmem>>[vector<16xi32>], vector<16xf32>,
          %add3A_598 = arith.constant 6 : i32
          %add3A_599 = vector.broadcast %add3A_598 : i32 to vector<16xi32>
          %add3A_600 = arith.addi %shift_left3A_573, %add3A_599 : vector<16xi32>
          %gather3A_601 = tpu.vector_load_idx %arg9[%add3A_600] : memref<1024xf32, #tpu.memory_space<vmem>>[vector<16xi32>], vector<16xf32>,
          %add3A_602 = arith.constant 7 : i32
          %add3A_603 = vector.broadcast %add3A_602 : i32 to vector<16xi32>
          %add3A_604 = arith.addi %shift_left3A_573, %add3A_603 : vector<16xi32>
          %gather3A_605 = tpu.vector_load_idx %arg9[%add3A_604] : memref<1024xf32, #tpu.memory_space<vmem>>[vector<16xi32>], vector<16xf32>,
          %add3A_606 = arith.constant 8 : i32
          %add3A_607 = vector.broadcast %add3A_606 : i32 to vector<16xi32>
          %add3A_608 = arith.addi %shift_left3A_573, %add3A_607 : vector<16xi32>
          %gather3A_609 = tpu.vector_load_idx %arg9[%add3A_608] : memref<1024xf32, #tpu.memory_space<vmem>>[vector<16xi32>], vector<16xf32>,
          %sub3A_610 = arith.subf %gather3A_554, %gather3A_550 : vector<16xf32>
          %mul3A_611 = arith.mulf %gather3A_561, %gather3A_577 : vector<16xf32>
          %mul3A_612 = arith.mulf %gather3A_565, %gather3A_589 : vector<16xf32>
          %add3A_613 = arith.addf %mul3A_611, %mul3A_612 : vector<16xf32>
          %mul3A_614 = arith.mulf %gather3A_569, %gather3A_601 : vector<16xf32>
          %add3A_615 = arith.addf %add3A_613, %mul3A_614 : vector<16xf32>
          %add3A_616 = arith.addf %sub3A_610, %add3A_615 : vector<16xf32>
          %sub3A_617 = arith.subf %gather3A_555, %gather3A_551 : vector<16xf32>
          %mul3A_618 = arith.mulf %gather3A_561, %gather3A_581 : vector<16xf32>
          %mul3A_619 = arith.mulf %gather3A_565, %gather3A_593 : vector<16xf32>
          %add3A_620 = arith.addf %mul3A_618, %mul3A_619 : vector<16xf32>
          %mul3A_621 = arith.mulf %gather3A_569, %gather3A_605 : vector<16xf32>
          %add3A_622 = arith.addf %add3A_620, %mul3A_621 : vector<16xf32>
          %add3A_623 = arith.addf %sub3A_617, %add3A_622 : vector<16xf32>
          %sub3A_624 = arith.subf %gather3A_556, %gather3A_552 : vector<16xf32>
          %mul3A_625 = arith.mulf %gather3A_561, %gather3A_585 : vector<16xf32>
          %mul3A_626 = arith.mulf %gather3A_565, %gather3A_597 : vector<16xf32>
          %add3A_627 = arith.addf %mul3A_625, %mul3A_626 : vector<16xf32>
          %mul3A_628 = arith.mulf %gather3A_569, %gather3A_609 : vector<16xf32>
          %add3A_629 = arith.addf %add3A_627, %mul3A_628 : vector<16xf32>
          %add3A_630 = arith.addf %sub3A_624, %add3A_629 : vector<16xf32>
          %mul3A_631 = arith.mulf %add3A_616, %add3A_616 : vector<16xf32>
          %mul3A_632 = arith.mulf %add3A_623, %add3A_623 : vector<16xf32>
          %add3A_633 = arith.addf %mul3A_631, %mul3A_632 : vector<16xf32>
          %mul3A_634 = arith.mulf %add3A_630, %add3A_630 : vector<16xf32>
          %add3A_635 = arith.addf %add3A_633, %mul3A_634 : vector<16xf32>
          %bitcast3A_636 = vector.bitcast %add3A_635 : vector<16xf32> to vector<16xi32>
          %shift_right_arithmetic3A_637 = arith.constant 1 : i32
          %shift_right_arithmetic3A_638 = vector.broadcast %shift_right_arithmetic3A_637 : i32 to vector<16xi32>
          %shift_right_arithmetic3A_639 = arith.shrsi %bitcast3A_636, %shift_right_arithmetic3A_638 : vector<16xi32>
          %sub3A_640 = arith.constant 1597463007 : i32
          %sub3A_641 = vector.broadcast %sub3A_640 : i32 to vector<16xi32>
          %sub3A_642 = arith.subi %sub3A_641, %shift_right_arithmetic3A_639 : vector<16xi32>
          %bitcast3A_643 = vector.bitcast %sub3A_642 : vector<16xi32> to vector<16xf32>
          %mul3A_644 = arith.constant 5.000000e-01 : f32
          %mul3A_645 = vector.broadcast %mul3A_644 : f32 to vector<16xf32>
          %mul3A_646 = arith.mulf %mul3A_645, %add3A_635 : vector<16xf32>
          %mul3A_647 = arith.mulf %mul3A_646, %bitcast3A_643 : vector<16xf32>
          %mul3A_648 = arith.mulf %mul3A_647, %bitcast3A_643 : vector<16xf32>
          %sub3A_649 = arith.constant 1.500000e+00 : f32
          %sub3A_650 = vector.broadcast %sub3A_649 : f32 to vector<16xf32>
          %sub3A_651 = arith.subf %sub3A_650, %mul3A_648 : vector<16xf32>
          %mul3A_652 = arith.mulf %bitcast3A_643, %sub3A_651 : vector<16xf32>
          %mul3A_653 = arith.constant 5.000000e-01 : f32
          %mul3A_654 = vector.broadcast %mul3A_653 : f32 to vector<16xf32>
          %mul3A_655 = arith.mulf %mul3A_654, %add3A_635 : vector<16xf32>
          %mul3A_656 = arith.mulf %mul3A_655, %mul3A_652 : vector<16xf32>
          %mul3A_657 = arith.mulf %mul3A_656, %mul3A_652 : vector<16xf32>
          %sub3A_658 = arith.constant 1.500000e+00 : f32
          %sub3A_659 = vector.broadcast %sub3A_658 : f32 to vector<16xf32>
          %sub3A_660 = arith.subf %sub3A_659, %mul3A_657 : vector<16xf32>
          %mul3A_661 = arith.mulf %mul3A_652, %sub3A_660 : vector<16xf32>
          %mul3A_662 = arith.mulf %add3A_635, %mul3A_661 : vector<16xf32>
          %mul3A_663 = arith.constant 16 : i32
          %mul3A_664 = arith.muli %add3A_545, %mul3A_663 : i32
          %swap3A_665 = arith.index_cast %mul3A_664 : i32 to index
          %swap3A_666 = tpu.vector_load %arg23[%swap3A_665] {strides = array<i32>} : memref<1024xf32, #tpu.memory_space<vmem>>, vector<16xf32>,
          tpu.vector_store %arg23[%swap3A_665], %mul3A_662 {strides = array<i32>} : memref<1024xf32, #tpu.memory_space<vmem>>, vector<16xf32>,
        }
        %scan3A_150 = arith.constant 64 : i32
        %mul3A_151 = arith.constant 32 : i32
        %mul3A_152 = arith.muli %mul3A_93, %mul3A_151 : i32
        %add3A_153 = arith.addi %add3A, %mul3A_152 : i32
        %mul3A_154 = arith.constant 1024 : i32
        %mul3A_155 = arith.muli %add3A_153, %mul3A_154 : i32
        %dma_start3A_156 = tpu.memref_slice %arg7[%mul3A_155] : memref<6400000xf32, #tpu.memory_space<hbm>> -> memref<1024xf32, #tpu.memory_space<hbm>>
        %dma_start3A_157 = tpu.memref_slice %arg7[%mul3A_155] : memref<6400000xf32, #tpu.memory_space<hbm>> -> memref<1024xf32, #tpu.memory_space<hbm>>
        tpu.enqueue_dma source(%arg23 : memref<1024xf32, #tpu.memory_space<vmem>>) target(%dma_start3A_157 : memref<1024xf32, #tpu.memory_space<hbm>>) target_semaphore(%arg32 : memref<!tpu.dma_semaphore, #tpu.memory_space<semaphore_mem>>)
        %add3A_158 = arith.constant 64 : i32
        %add3A_159 = arith.addi %add3A_96, %add3A_158 : i32
        %lt3A_160 = arith.constant 6250 : i32
        %lt3A_161 = arith.cmpi slt, %add3A_159, %lt3A_160 : i32
        %convert_element_type3A_162 = arith.extui %lt3A_161 : i1 to i32
        %cond3A_163 = arith.constant 0 : i32
        %cond3A_164 = arith.cmpi ne, %convert_element_type3A_162, %cond3A_163 : i32
        scf.if %cond3A_164 {
          %add3A_165 = arith.constant 2 : i32
          %add3A_166 = arith.addi %mul3A_93, %add3A_165 : i32
          %mul3A_167 = arith.constant 32 : i32
          %mul3A_168 = arith.muli %add3A_166, %mul3A_167 : i32
          %add3A_169 = arith.addi %add3A, %mul3A_168 : i32
          %mul3A_170 = arith.constant 1024 : i32
          %mul3A_171 = arith.muli %add3A_169, %mul3A_170 : i32
          %mul3A_172 = arith.constant 3 : i32
          %mul3A_173 = arith.muli %mul3A_171, %mul3A_172 : i32
          %dma_start3A_174 = tpu.memref_slice %arg6[%mul3A_173] : memref<19200000xf32, #tpu.memory_space<hbm>> -> memref<3072xf32, #tpu.memory_space<hbm>>
          %dma_start3A_175 = tpu.memref_slice %arg6[%mul3A_173] : memref<19200000xf32, #tpu.memory_space<hbm>> -> memref<3072xf32, #tpu.memory_space<hbm>>
          tpu.enqueue_dma source(%dma_start3A_175 : memref<3072xf32, #tpu.memory_space<hbm>>) target(%arg17 : memref<3072xf32, #tpu.memory_space<vmem>>) target_semaphore(%arg28 : memref<!tpu.dma_semaphore, #tpu.memory_space<semaphore_mem>>)
        } else {
        }
      } else {
      }
      %add3A_102 = arith.constant 1 : i32
      %add3A_103 = arith.addi %mul3A_93, %add3A_102 : i32
      %mul3A_104 = arith.constant 32 : i32
      %mul3A_105 = arith.muli %add3A_103, %mul3A_104 : i32
      %add3A_106 = arith.addi %add3A, %mul3A_105 : i32
      %lt3A_107 = arith.constant 6250 : i32
      %lt3A_108 = arith.cmpi slt, %add3A_106, %lt3A_107 : i32
      %convert_element_type3A_109 = arith.extui %lt3A_108 : i1 to i32
      %cond3A_110 = arith.constant 0 : i32
      %cond3A_111 = arith.cmpi ne, %convert_element_type3A_109, %cond3A_110 : i32
      scf.if %cond3A_111 {
        %dma_wait3A_112 = arith.constant 0 : i32
        %dma_wait3A_113 = arith.constant 0 : i32
        %dma_wait3A_114 = tpu.memref_slice %arg8[%dma_wait3A_112, %dma_wait3A_113] : memref<100352x8xf32, #tpu.memory_space<vmem_shared>> -> memref<100352x8xf32, #tpu.memory_space<vmem_shared>>
        tpu.wait_indirect_dma semaphore(%arg31 : memref<!tpu.dma_semaphore, #tpu.memory_space<semaphore_mem>>) src(%dma_wait3A_114 : memref<100352x8xf32, #tpu.memory_space<vmem_shared>>) dst(%arg20 : memref<1024x8xf32, #tpu.memory_space<vmem>>)
        %dma_wait3A_115 = arith.constant 0 : i32
        %dma_wait3A_116 = arith.constant 0 : i32
        %dma_wait3A_117 = tpu.memref_slice %arg8[%dma_wait3A_115, %dma_wait3A_116] : memref<100352x8xf32, #tpu.memory_space<vmem_shared>> -> memref<100352x8xf32, #tpu.memory_space<vmem_shared>>
        tpu.wait_indirect_dma semaphore(%arg31 : memref<!tpu.dma_semaphore, #tpu.memory_space<semaphore_mem>>) src(%dma_wait3A_117 : memref<100352x8xf32, #tpu.memory_space<vmem_shared>>) dst(%arg22 : memref<1024x8xf32, #tpu.memory_space<vmem>>)
        %add3A_118 = arith.constant 32 : i32
        %add3A_119 = arith.addi %add3A_106, %add3A_118 : i32
        %lt3A_120 = arith.constant 6250 : i32
        %lt3A_121 = arith.cmpi slt, %add3A_119, %lt3A_120 : i32
        %convert_element_type3A_122 = arith.extui %lt3A_121 : i1 to i32
        %cond3A_123 = arith.constant 0 : i32
        %cond3A_124 = arith.cmpi ne, %convert_element_type3A_122, %cond3A_123 : i32
        scf.if %cond3A_124 {
          %add3A_165 = arith.constant 1 : i32
          %add3A_166 = arith.addi %add3A_103, %add3A_165 : i32
          %mul3A_167 = arith.constant 32 : i32
          %mul3A_168 = arith.muli %add3A_166, %mul3A_167 : i32
          %add3A_169 = arith.addi %add3A, %mul3A_168 : i32
          %mul3A_170 = arith.constant 1024 : i32
          %mul3A_171 = arith.muli %add3A_169, %mul3A_170 : i32
          %dma_wait3A_172 = tpu.memref_slice %arg4[%mul3A_171] : memref<6400000xi32, #tpu.memory_space<hbm>> -> memref<1024xi32, #tpu.memory_space<hbm>>
          %dma_wait3A_173 = tpu.memref_slice %arg4[%mul3A_171] : memref<6400000xi32, #tpu.memory_space<hbm>> -> memref<1024xi32, #tpu.memory_space<hbm>>
          tpu.wait_dma2 semaphore(%arg26 : memref<!tpu.dma_semaphore, #tpu.memory_space<semaphore_mem>>) src(%dma_wait3A_173 : memref<1024xi32, #tpu.memory_space<hbm>>) dst(%arg13 : memref<1024xi32, #tpu.memory_space<vmem>>)
          %dma_wait3A_174 = tpu.memref_slice %arg5[%mul3A_171] : memref<6400000xi32, #tpu.memory_space<hbm>> -> memref<1024xi32, #tpu.memory_space<hbm>>
          %dma_wait3A_175 = tpu.memref_slice %arg5[%mul3A_171] : memref<6400000xi32, #tpu.memory_space<hbm>> -> memref<1024xi32, #tpu.memory_space<hbm>>
          tpu.wait_dma2 semaphore(%arg26 : memref<!tpu.dma_semaphore, #tpu.memory_space<semaphore_mem>>) src(%dma_wait3A_175 : memref<1024xi32, #tpu.memory_space<hbm>>) dst(%arg15 : memref<1024xi32, #tpu.memory_space<vmem>>)
          %dma_start3A_176 = arith.constant 0 : i32
          %dma_start3A_177 = arith.constant 0 : i32
          %dma_start3A_178 = tpu.memref_slice %arg8[%dma_start3A_176, %dma_start3A_177] : memref<100352x8xf32, #tpu.memory_space<vmem_shared>> -> memref<100352x8xf32, #tpu.memory_space<vmem_shared>>
          tpu.enqueue_indirect_dma source(%dma_start3A_178 : memref<100352x8xf32, #tpu.memory_space<vmem_shared>>) target(%arg19 : memref<1024x8xf32, #tpu.memory_space<vmem>>) offsets(%arg13 : memref<1024xi32, #tpu.memory_space<vmem>>) semaphore(%arg30 : memref<!tpu.dma_semaphore, #tpu.memory_space<semaphore_mem>>)
          %dma_start3A_179 = arith.constant 0 : i32
          %dma_start3A_180 = arith.constant 0 : i32
          %dma_start3A_181 = tpu.memref_slice %arg8[%dma_start3A_179, %dma_start3A_180] : memref<100352x8xf32, #tpu.memory_space<vmem_shared>> -> memref<100352x8xf32, #tpu.memory_space<vmem_shared>>
          tpu.enqueue_indirect_dma source(%dma_start3A_181 : memref<100352x8xf32, #tpu.memory_space<vmem_shared>>) target(%arg21 : memref<1024x8xf32, #tpu.memory_space<vmem>>) offsets(%arg15 : memref<1024xi32, #tpu.memory_space<vmem>>) semaphore(%arg30 : memref<!tpu.dma_semaphore, #tpu.memory_space<semaphore_mem>>)
        } else {
        }
        %add3A_125 = arith.constant 64 : i32
        %add3A_126 = arith.addi %add3A_106, %add3A_125 : i32
        %lt3A_127 = arith.constant 6250 : i32
        %lt3A_128 = arith.cmpi slt, %add3A_126, %lt3A_127 : i32
        %convert_element_type3A_129 = arith.extui %lt3A_128 : i1 to i32
        %cond3A_130 = arith.constant 0 : i32
        %cond3A_131 = arith.cmpi ne, %convert_element_type3A_129, %cond3A_130 : i32
        scf.if %cond3A_131 {
          %add3A_165 = arith.constant 2 : i32
          %add3A_166 = arith.addi %add3A_103, %add3A_165 : i32
          %mul3A_167 = arith.constant 32 : i32
          %mul3A_168 = arith.muli %add3A_166, %mul3A_167 : i32
          %add3A_169 = arith.addi %add3A, %mul3A_168 : i32
          %mul3A_170 = arith.constant 1024 : i32
          %mul3A_171 = arith.muli %add3A_169, %mul3A_170 : i32
          %dma_start3A_172 = tpu.memref_slice %arg4[%mul3A_171] : memref<6400000xi32, #tpu.memory_space<hbm>> -> memref<1024xi32, #tpu.memory_space<hbm>>
          %dma_start3A_173 = tpu.memref_slice %arg4[%mul3A_171] : memref<6400000xi32, #tpu.memory_space<hbm>> -> memref<1024xi32, #tpu.memory_space<hbm>>
          tpu.enqueue_dma source(%dma_start3A_173 : memref<1024xi32, #tpu.memory_space<hbm>>) target(%arg14 : memref<1024xi32, #tpu.memory_space<vmem>>) target_semaphore(%arg27 : memref<!tpu.dma_semaphore, #tpu.memory_space<semaphore_mem>>)
          %dma_start3A_174 = tpu.memref_slice %arg5[%mul3A_171] : memref<6400000xi32, #tpu.memory_space<hbm>> -> memref<1024xi32, #tpu.memory_space<hbm>>
          %dma_start3A_175 = tpu.memref_slice %arg5[%mul3A_171] : memref<6400000xi32, #tpu.memory_space<hbm>> -> memref<1024xi32, #tpu.memory_space<hbm>>
          tpu.enqueue_dma source(%dma_start3A_175 : memref<1024xi32, #tpu.memory_space<hbm>>) target(%arg16 : memref<1024xi32, #tpu.memory_space<vmem>>) target_semaphore(%arg27 : memref<!tpu.dma_semaphore, #tpu.memory_space<semaphore_mem>>)
        } else {
        }
        %mul3A_132 = arith.constant 32 : i32
        %mul3A_133 = arith.muli %add3A_103, %mul3A_132 : i32
        %add3A_134 = arith.addi %add3A, %mul3A_133 : i32
        %mul3A_135 = arith.constant 1024 : i32
        %mul3A_136 = arith.muli %add3A_134, %mul3A_135 : i32
        %mul3A_137 = arith.constant 3 : i32
        %mul3A_138 = arith.muli %mul3A_136, %mul3A_137 : i32
        %dma_wait3A_139 = tpu.memref_slice %arg6[%mul3A_138] : memref<19200000xf32, #tpu.memory_space<hbm>> -> memref<3072xf32, #tpu.memory_space<hbm>>
        %dma_wait3A_140 = tpu.memref_slice %arg6[%mul3A_138] : memref<19200000xf32, #tpu.memory_space<hbm>> -> memref<3072xf32, #tpu.memory_space<hbm>>
        tpu.wait_dma2 semaphore(%arg29 : memref<!tpu.dma_semaphore, #tpu.memory_space<semaphore_mem>>) src(%dma_wait3A_140 : memref<3072xf32, #tpu.memory_space<hbm>>) dst(%arg18 : memref<3072xf32, #tpu.memory_space<vmem>>)
        %ge3A_141 = arith.constant 2 : i32
        %ge3A_142 = arith.cmpi sge, %add3A_103, %ge3A_141 : i32
        %convert_element_type3A_143 = arith.extui %ge3A_142 : i1 to i32
        %cond3A_144 = arith.constant 0 : i32
        %cond3A_145 = arith.cmpi ne, %convert_element_type3A_143, %cond3A_144 : i32
        scf.if %cond3A_145 {
          %sub3A = arith.constant 2 : i32
          %sub3A_165 = arith.subi %add3A_103, %sub3A : i32
          %mul3A_166 = arith.constant 32 : i32
          %mul3A_167 = arith.muli %sub3A_165, %mul3A_166 : i32
          %add3A_168 = arith.addi %add3A, %mul3A_167 : i32
          %mul3A_169 = arith.constant 1024 : i32
          %mul3A_170 = arith.muli %add3A_168, %mul3A_169 : i32
          %dma_wait3A_171 = tpu.memref_slice %arg7[%mul3A_170] : memref<6400000xf32, #tpu.memory_space<hbm>> -> memref<1024xf32, #tpu.memory_space<hbm>>
          %dma_wait3A_172 = tpu.memref_slice %arg7[%mul3A_170] : memref<6400000xf32, #tpu.memory_space<hbm>> -> memref<1024xf32, #tpu.memory_space<hbm>>
          tpu.wait_dma2 semaphore(%arg33 : memref<!tpu.dma_semaphore, #tpu.memory_space<semaphore_mem>>) src(%arg24 : memref<1024xf32, #tpu.memory_space<vmem>>) dst(%dma_wait3A_172 : memref<1024xf32, #tpu.memory_space<hbm>>)
        } else {
        }
        %scan3A_146 = arith.constant 0 : i32
        %scan3A_147 = arith.constant 64 : i32
        %scan3A_148 = arith.addi %scan3A_146, %scan3A_147 : i32
        %scan3A_149 = arith.constant 4 : i32
        scf.for %scan3A_165 = %scan3A_146 to %scan3A_148 step %scan3A_149  : i32 {
          %mul3A_166 = arith.constant 1 : i32
          %mul3A_167 = arith.muli %scan3A_165, %mul3A_166 : i32
          %add3A_168 = arith.constant 0 : i32
          %add3A_169 = arith.addi %add3A_168, %mul3A_167 : i32
          %mul3A_170 = arith.constant 16 : i32
          %mul3A_171 = arith.muli %add3A_169, %mul3A_170 : i32
          %add3A_172 = vector.broadcast %mul3A_171 : i32 to vector<16xi32>
          %add3A_173 = arith.addi %iota3A, %add3A_172 : vector<16xi32>
          %gather3A = tpu.vector_load_idx %arg22[%add3A_173, %broadcast_in_dim3A_8] : memref<1024x8xf32, #tpu.memory_space<vmem>>[vector<16xi32>, vector<16xi32>], vector<16xf32>,
          %gather3A_174 = tpu.vector_load_idx %arg22[%add3A_173, %broadcast_in_dim3A_10] : memref<1024x8xf32, #tpu.memory_space<vmem>>[vector<16xi32>, vector<16xi32>], vector<16xf32>,
          %gather3A_175 = tpu.vector_load_idx %arg22[%add3A_173, %broadcast_in_dim3A_12] : memref<1024x8xf32, #tpu.memory_space<vmem>>[vector<16xi32>, vector<16xi32>], vector<16xf32>,
          %gather3A_176 = tpu.vector_load_idx %arg22[%add3A_173, %broadcast_in_dim3A_14] : memref<1024x8xf32, #tpu.memory_space<vmem>>[vector<16xi32>, vector<16xi32>], vector<16xf32>,
          %gather3A_177 = tpu.vector_load_idx %arg20[%add3A_173, %broadcast_in_dim3A_8] : memref<1024x8xf32, #tpu.memory_space<vmem>>[vector<16xi32>, vector<16xi32>], vector<16xf32>,
          %gather3A_178 = tpu.vector_load_idx %arg20[%add3A_173, %broadcast_in_dim3A_10] : memref<1024x8xf32, #tpu.memory_space<vmem>>[vector<16xi32>, vector<16xi32>], vector<16xf32>,
          %gather3A_179 = tpu.vector_load_idx %arg20[%add3A_173, %broadcast_in_dim3A_12] : memref<1024x8xf32, #tpu.memory_space<vmem>>[vector<16xi32>, vector<16xi32>], vector<16xf32>,
          %mul3A_180 = arith.constant 48 : i32
          %mul3A_181 = arith.muli %add3A_169, %mul3A_180 : i32
          %add3A_182 = vector.broadcast %mul3A_181 : i32 to vector<16xi32>
          %add3A_183 = arith.addi %mul3A_3, %add3A_182 : vector<16xi32>
          %gather3A_184 = tpu.vector_load_idx %arg18[%add3A_183] : memref<3072xf32, #tpu.memory_space<vmem>>[vector<16xi32>], vector<16xf32>,
          %add3A_185 = arith.constant 1 : i32
          %add3A_186 = vector.broadcast %add3A_185 : i32 to vector<16xi32>
          %add3A_187 = arith.addi %add3A_183, %add3A_186 : vector<16xi32>
          %gather3A_188 = tpu.vector_load_idx %arg18[%add3A_187] : memref<3072xf32, #tpu.memory_space<vmem>>[vector<16xi32>], vector<16xf32>,
          %add3A_189 = arith.constant 2 : i32
          %add3A_190 = vector.broadcast %add3A_189 : i32 to vector<16xi32>
          %add3A_191 = arith.addi %add3A_183, %add3A_190 : vector<16xi32>
          %gather3A_192 = tpu.vector_load_idx %arg18[%add3A_191] : memref<3072xf32, #tpu.memory_space<vmem>>[vector<16xi32>], vector<16xf32>,
          %convert_element_type3A_193 = arith.fptosi %gather3A_176 : vector<16xf32> to vector<16xi32>
          %shift_left3A = arith.constant 4 : i32
          %shift_left3A_194 = vector.broadcast %shift_left3A : i32 to vector<16xi32>
          %shift_left3A_195 = arith.shli %convert_element_type3A_193, %shift_left3A_194 : vector<16xi32>
          %add3A_196 = arith.constant 0 : i32
          %add3A_197 = vector.broadcast %add3A_196 : i32 to vector<16xi32>
          %add3A_198 = arith.addi %shift_left3A_195, %add3A_197 : vector<16xi32>
          %gather3A_199 = tpu.vector_load_idx %arg9[%add3A_198] : memref<1024xf32, #tpu.memory_space<vmem>>[vector<16xi32>], vector<16xf32>,
          %add3A_200 = arith.constant 1 : i32
          %add3A_201 = vector.broadcast %add3A_200 : i32 to vector<16xi32>
          %add3A_202 = arith.addi %shift_left3A_195, %add3A_201 : vector<16xi32>
          %gather3A_203 = tpu.vector_load_idx %arg9[%add3A_202] : memref<1024xf32, #tpu.memory_space<vmem>>[vector<16xi32>], vector<16xf32>,
          %add3A_204 = arith.constant 2 : i32
          %add3A_205 = vector.broadcast %add3A_204 : i32 to vector<16xi32>
          %add3A_206 = arith.addi %shift_left3A_195, %add3A_205 : vector<16xi32>
          %gather3A_207 = tpu.vector_load_idx %arg9[%add3A_206] : memref<1024xf32, #tpu.memory_space<vmem>>[vector<16xi32>], vector<16xf32>,
          %add3A_208 = arith.constant 3 : i32
          %add3A_209 = vector.broadcast %add3A_208 : i32 to vector<16xi32>
          %add3A_210 = arith.addi %shift_left3A_195, %add3A_209 : vector<16xi32>
          %gather3A_211 = tpu.vector_load_idx %arg9[%add3A_210] : memref<1024xf32, #tpu.memory_space<vmem>>[vector<16xi32>], vector<16xf32>,
          %add3A_212 = arith.constant 4 : i32
          %add3A_213 = vector.broadcast %add3A_212 : i32 to vector<16xi32>
          %add3A_214 = arith.addi %shift_left3A_195, %add3A_213 : vector<16xi32>
          %gather3A_215 = tpu.vector_load_idx %arg9[%add3A_214] : memref<1024xf32, #tpu.memory_space<vmem>>[vector<16xi32>], vector<16xf32>,
          %add3A_216 = arith.constant 5 : i32
          %add3A_217 = vector.broadcast %add3A_216 : i32 to vector<16xi32>
          %add3A_218 = arith.addi %shift_left3A_195, %add3A_217 : vector<16xi32>
          %gather3A_219 = tpu.vector_load_idx %arg9[%add3A_218] : memref<1024xf32, #tpu.memory_space<vmem>>[vector<16xi32>], vector<16xf32>,
          %add3A_220 = arith.constant 6 : i32
          %add3A_221 = vector.broadcast %add3A_220 : i32 to vector<16xi32>
          %add3A_222 = arith.addi %shift_left3A_195, %add3A_221 : vector<16xi32>
          %gather3A_223 = tpu.vector_load_idx %arg9[%add3A_222] : memref<1024xf32, #tpu.memory_space<vmem>>[vector<16xi32>], vector<16xf32>,
          %add3A_224 = arith.constant 7 : i32
          %add3A_225 = vector.broadcast %add3A_224 : i32 to vector<16xi32>
          %add3A_226 = arith.addi %shift_left3A_195, %add3A_225 : vector<16xi32>
          %gather3A_227 = tpu.vector_load_idx %arg9[%add3A_226] : memref<1024xf32, #tpu.memory_space<vmem>>[vector<16xi32>], vector<16xf32>,
          %add3A_228 = arith.constant 8 : i32
          %add3A_229 = vector.broadcast %add3A_228 : i32 to vector<16xi32>
          %add3A_230 = arith.addi %shift_left3A_195, %add3A_229 : vector<16xi32>
          %gather3A_231 = tpu.vector_load_idx %arg9[%add3A_230] : memref<1024xf32, #tpu.memory_space<vmem>>[vector<16xi32>], vector<16xf32>,
          %sub3A = arith.subf %gather3A_177, %gather3A : vector<16xf32>
          %mul3A_232 = arith.mulf %gather3A_184, %gather3A_199 : vector<16xf32>
          %mul3A_233 = arith.mulf %gather3A_188, %gather3A_211 : vector<16xf32>
          %add3A_234 = arith.addf %mul3A_232, %mul3A_233 : vector<16xf32>
          %mul3A_235 = arith.mulf %gather3A_192, %gather3A_223 : vector<16xf32>
          %add3A_236 = arith.addf %add3A_234, %mul3A_235 : vector<16xf32>
          %add3A_237 = arith.addf %sub3A, %add3A_236 : vector<16xf32>
          %sub3A_238 = arith.subf %gather3A_178, %gather3A_174 : vector<16xf32>
          %mul3A_239 = arith.mulf %gather3A_184, %gather3A_203 : vector<16xf32>
          %mul3A_240 = arith.mulf %gather3A_188, %gather3A_215 : vector<16xf32>
          %add3A_241 = arith.addf %mul3A_239, %mul3A_240 : vector<16xf32>
          %mul3A_242 = arith.mulf %gather3A_192, %gather3A_227 : vector<16xf32>
          %add3A_243 = arith.addf %add3A_241, %mul3A_242 : vector<16xf32>
          %add3A_244 = arith.addf %sub3A_238, %add3A_243 : vector<16xf32>
          %sub3A_245 = arith.subf %gather3A_179, %gather3A_175 : vector<16xf32>
          %mul3A_246 = arith.mulf %gather3A_184, %gather3A_207 : vector<16xf32>
          %mul3A_247 = arith.mulf %gather3A_188, %gather3A_219 : vector<16xf32>
          %add3A_248 = arith.addf %mul3A_246, %mul3A_247 : vector<16xf32>
          %mul3A_249 = arith.mulf %gather3A_192, %gather3A_231 : vector<16xf32>
          %add3A_250 = arith.addf %add3A_248, %mul3A_249 : vector<16xf32>
          %add3A_251 = arith.addf %sub3A_245, %add3A_250 : vector<16xf32>
          %mul3A_252 = arith.mulf %add3A_237, %add3A_237 : vector<16xf32>
          %mul3A_253 = arith.mulf %add3A_244, %add3A_244 : vector<16xf32>
          %add3A_254 = arith.addf %mul3A_252, %mul3A_253 : vector<16xf32>
          %mul3A_255 = arith.mulf %add3A_251, %add3A_251 : vector<16xf32>
          %add3A_256 = arith.addf %add3A_254, %mul3A_255 : vector<16xf32>
          %bitcast3A = vector.bitcast %add3A_256 : vector<16xf32> to vector<16xi32>
          %shift_right_arithmetic3A_257 = arith.constant 1 : i32
          %shift_right_arithmetic3A_258 = vector.broadcast %shift_right_arithmetic3A_257 : i32 to vector<16xi32>
          %shift_right_arithmetic3A_259 = arith.shrsi %bitcast3A, %shift_right_arithmetic3A_258 : vector<16xi32>
          %sub3A_260 = arith.constant 1597463007 : i32
          %sub3A_261 = vector.broadcast %sub3A_260 : i32 to vector<16xi32>
          %sub3A_262 = arith.subi %sub3A_261, %shift_right_arithmetic3A_259 : vector<16xi32>
          %bitcast3A_263 = vector.bitcast %sub3A_262 : vector<16xi32> to vector<16xf32>
          %mul3A_264 = arith.constant 5.000000e-01 : f32
          %mul3A_265 = vector.broadcast %mul3A_264 : f32 to vector<16xf32>
          %mul3A_266 = arith.mulf %mul3A_265, %add3A_256 : vector<16xf32>
          %mul3A_267 = arith.mulf %mul3A_266, %bitcast3A_263 : vector<16xf32>
          %mul3A_268 = arith.mulf %mul3A_267, %bitcast3A_263 : vector<16xf32>
          %sub3A_269 = arith.constant 1.500000e+00 : f32
          %sub3A_270 = vector.broadcast %sub3A_269 : f32 to vector<16xf32>
          %sub3A_271 = arith.subf %sub3A_270, %mul3A_268 : vector<16xf32>
          %mul3A_272 = arith.mulf %bitcast3A_263, %sub3A_271 : vector<16xf32>
          %mul3A_273 = arith.constant 5.000000e-01 : f32
          %mul3A_274 = vector.broadcast %mul3A_273 : f32 to vector<16xf32>
          %mul3A_275 = arith.mulf %mul3A_274, %add3A_256 : vector<16xf32>
          %mul3A_276 = arith.mulf %mul3A_275, %mul3A_272 : vector<16xf32>
          %mul3A_277 = arith.mulf %mul3A_276, %mul3A_272 : vector<16xf32>
          %sub3A_278 = arith.constant 1.500000e+00 : f32
          %sub3A_279 = vector.broadcast %sub3A_278 : f32 to vector<16xf32>
          %sub3A_280 = arith.subf %sub3A_279, %mul3A_277 : vector<16xf32>
          %mul3A_281 = arith.mulf %mul3A_272, %sub3A_280 : vector<16xf32>
          %mul3A_282 = arith.mulf %add3A_256, %mul3A_281 : vector<16xf32>
          %mul3A_283 = arith.constant 16 : i32
          %mul3A_284 = arith.muli %add3A_169, %mul3A_283 : i32
          %swap3A = arith.index_cast %mul3A_284 : i32 to index
          %swap3A_285 = tpu.vector_load %arg24[%swap3A] {strides = array<i32>} : memref<1024xf32, #tpu.memory_space<vmem>>, vector<16xf32>,
          tpu.vector_store %arg24[%swap3A], %mul3A_282 {strides = array<i32>} : memref<1024xf32, #tpu.memory_space<vmem>>, vector<16xf32>,
          %scan3A_286 = arith.constant 1 : i32
          %scan3A_287 = arith.addi %scan3A_165, %scan3A_286 : i32
          %mul3A_288 = arith.constant 1 : i32
          %mul3A_289 = arith.muli %scan3A_287, %mul3A_288 : i32
          %add3A_290 = arith.constant 0 : i32
          %add3A_291 = arith.addi %add3A_290, %mul3A_289 : i32
          %mul3A_292 = arith.constant 16 : i32
          %mul3A_293 = arith.muli %add3A_291, %mul3A_292 : i32
          %add3A_294 = vector.broadcast %mul3A_293 : i32 to vector<16xi32>
          %add3A_295 = arith.addi %iota3A, %add3A_294 : vector<16xi32>
          %gather3A_296 = tpu.vector_load_idx %arg22[%add3A_295, %broadcast_in_dim3A_8] : memref<1024x8xf32, #tpu.memory_space<vmem>>[vector<16xi32>, vector<16xi32>], vector<16xf32>,
          %gather3A_297 = tpu.vector_load_idx %arg22[%add3A_295, %broadcast_in_dim3A_10] : memref<1024x8xf32, #tpu.memory_space<vmem>>[vector<16xi32>, vector<16xi32>], vector<16xf32>,
          %gather3A_298 = tpu.vector_load_idx %arg22[%add3A_295, %broadcast_in_dim3A_12] : memref<1024x8xf32, #tpu.memory_space<vmem>>[vector<16xi32>, vector<16xi32>], vector<16xf32>,
          %gather3A_299 = tpu.vector_load_idx %arg22[%add3A_295, %broadcast_in_dim3A_14] : memref<1024x8xf32, #tpu.memory_space<vmem>>[vector<16xi32>, vector<16xi32>], vector<16xf32>,
          %gather3A_300 = tpu.vector_load_idx %arg20[%add3A_295, %broadcast_in_dim3A_8] : memref<1024x8xf32, #tpu.memory_space<vmem>>[vector<16xi32>, vector<16xi32>], vector<16xf32>,
          %gather3A_301 = tpu.vector_load_idx %arg20[%add3A_295, %broadcast_in_dim3A_10] : memref<1024x8xf32, #tpu.memory_space<vmem>>[vector<16xi32>, vector<16xi32>], vector<16xf32>,
          %gather3A_302 = tpu.vector_load_idx %arg20[%add3A_295, %broadcast_in_dim3A_12] : memref<1024x8xf32, #tpu.memory_space<vmem>>[vector<16xi32>, vector<16xi32>], vector<16xf32>,
          %mul3A_303 = arith.constant 48 : i32
          %mul3A_304 = arith.muli %add3A_291, %mul3A_303 : i32
          %add3A_305 = vector.broadcast %mul3A_304 : i32 to vector<16xi32>
          %add3A_306 = arith.addi %mul3A_3, %add3A_305 : vector<16xi32>
          %gather3A_307 = tpu.vector_load_idx %arg18[%add3A_306] : memref<3072xf32, #tpu.memory_space<vmem>>[vector<16xi32>], vector<16xf32>,
          %add3A_308 = arith.constant 1 : i32
          %add3A_309 = vector.broadcast %add3A_308 : i32 to vector<16xi32>
          %add3A_310 = arith.addi %add3A_306, %add3A_309 : vector<16xi32>
          %gather3A_311 = tpu.vector_load_idx %arg18[%add3A_310] : memref<3072xf32, #tpu.memory_space<vmem>>[vector<16xi32>], vector<16xf32>,
          %add3A_312 = arith.constant 2 : i32
          %add3A_313 = vector.broadcast %add3A_312 : i32 to vector<16xi32>
          %add3A_314 = arith.addi %add3A_306, %add3A_313 : vector<16xi32>
          %gather3A_315 = tpu.vector_load_idx %arg18[%add3A_314] : memref<3072xf32, #tpu.memory_space<vmem>>[vector<16xi32>], vector<16xf32>,
          %convert_element_type3A_316 = arith.fptosi %gather3A_299 : vector<16xf32> to vector<16xi32>
          %shift_left3A_317 = arith.constant 4 : i32
          %shift_left3A_318 = vector.broadcast %shift_left3A_317 : i32 to vector<16xi32>
          %shift_left3A_319 = arith.shli %convert_element_type3A_316, %shift_left3A_318 : vector<16xi32>
          %add3A_320 = arith.constant 0 : i32
          %add3A_321 = vector.broadcast %add3A_320 : i32 to vector<16xi32>
          %add3A_322 = arith.addi %shift_left3A_319, %add3A_321 : vector<16xi32>
          %gather3A_323 = tpu.vector_load_idx %arg9[%add3A_322] : memref<1024xf32, #tpu.memory_space<vmem>>[vector<16xi32>], vector<16xf32>,
          %add3A_324 = arith.constant 1 : i32
          %add3A_325 = vector.broadcast %add3A_324 : i32 to vector<16xi32>
          %add3A_326 = arith.addi %shift_left3A_319, %add3A_325 : vector<16xi32>
          %gather3A_327 = tpu.vector_load_idx %arg9[%add3A_326] : memref<1024xf32, #tpu.memory_space<vmem>>[vector<16xi32>], vector<16xf32>,
          %add3A_328 = arith.constant 2 : i32
          %add3A_329 = vector.broadcast %add3A_328 : i32 to vector<16xi32>
          %add3A_330 = arith.addi %shift_left3A_319, %add3A_329 : vector<16xi32>
          %gather3A_331 = tpu.vector_load_idx %arg9[%add3A_330] : memref<1024xf32, #tpu.memory_space<vmem>>[vector<16xi32>], vector<16xf32>,
          %add3A_332 = arith.constant 3 : i32
          %add3A_333 = vector.broadcast %add3A_332 : i32 to vector<16xi32>
          %add3A_334 = arith.addi %shift_left3A_319, %add3A_333 : vector<16xi32>
          %gather3A_335 = tpu.vector_load_idx %arg9[%add3A_334] : memref<1024xf32, #tpu.memory_space<vmem>>[vector<16xi32>], vector<16xf32>,
          %add3A_336 = arith.constant 4 : i32
          %add3A_337 = vector.broadcast %add3A_336 : i32 to vector<16xi32>
          %add3A_338 = arith.addi %shift_left3A_319, %add3A_337 : vector<16xi32>
          %gather3A_339 = tpu.vector_load_idx %arg9[%add3A_338] : memref<1024xf32, #tpu.memory_space<vmem>>[vector<16xi32>], vector<16xf32>,
          %add3A_340 = arith.constant 5 : i32
          %add3A_341 = vector.broadcast %add3A_340 : i32 to vector<16xi32>
          %add3A_342 = arith.addi %shift_left3A_319, %add3A_341 : vector<16xi32>
          %gather3A_343 = tpu.vector_load_idx %arg9[%add3A_342] : memref<1024xf32, #tpu.memory_space<vmem>>[vector<16xi32>], vector<16xf32>,
          %add3A_344 = arith.constant 6 : i32
          %add3A_345 = vector.broadcast %add3A_344 : i32 to vector<16xi32>
          %add3A_346 = arith.addi %shift_left3A_319, %add3A_345 : vector<16xi32>
          %gather3A_347 = tpu.vector_load_idx %arg9[%add3A_346] : memref<1024xf32, #tpu.memory_space<vmem>>[vector<16xi32>], vector<16xf32>,
          %add3A_348 = arith.constant 7 : i32
          %add3A_349 = vector.broadcast %add3A_348 : i32 to vector<16xi32>
          %add3A_350 = arith.addi %shift_left3A_319, %add3A_349 : vector<16xi32>
          %gather3A_351 = tpu.vector_load_idx %arg9[%add3A_350] : memref<1024xf32, #tpu.memory_space<vmem>>[vector<16xi32>], vector<16xf32>,
          %add3A_352 = arith.constant 8 : i32
          %add3A_353 = vector.broadcast %add3A_352 : i32 to vector<16xi32>
          %add3A_354 = arith.addi %shift_left3A_319, %add3A_353 : vector<16xi32>
          %gather3A_355 = tpu.vector_load_idx %arg9[%add3A_354] : memref<1024xf32, #tpu.memory_space<vmem>>[vector<16xi32>], vector<16xf32>,
          %sub3A_356 = arith.subf %gather3A_300, %gather3A_296 : vector<16xf32>
          %mul3A_357 = arith.mulf %gather3A_307, %gather3A_323 : vector<16xf32>
          %mul3A_358 = arith.mulf %gather3A_311, %gather3A_335 : vector<16xf32>
          %add3A_359 = arith.addf %mul3A_357, %mul3A_358 : vector<16xf32>
          %mul3A_360 = arith.mulf %gather3A_315, %gather3A_347 : vector<16xf32>
          %add3A_361 = arith.addf %add3A_359, %mul3A_360 : vector<16xf32>
          %add3A_362 = arith.addf %sub3A_356, %add3A_361 : vector<16xf32>
          %sub3A_363 = arith.subf %gather3A_301, %gather3A_297 : vector<16xf32>
          %mul3A_364 = arith.mulf %gather3A_307, %gather3A_327 : vector<16xf32>
          %mul3A_365 = arith.mulf %gather3A_311, %gather3A_339 : vector<16xf32>
          %add3A_366 = arith.addf %mul3A_364, %mul3A_365 : vector<16xf32>
          %mul3A_367 = arith.mulf %gather3A_315, %gather3A_351 : vector<16xf32>
          %add3A_368 = arith.addf %add3A_366, %mul3A_367 : vector<16xf32>
          %add3A_369 = arith.addf %sub3A_363, %add3A_368 : vector<16xf32>
          %sub3A_370 = arith.subf %gather3A_302, %gather3A_298 : vector<16xf32>
          %mul3A_371 = arith.mulf %gather3A_307, %gather3A_331 : vector<16xf32>
          %mul3A_372 = arith.mulf %gather3A_311, %gather3A_343 : vector<16xf32>
          %add3A_373 = arith.addf %mul3A_371, %mul3A_372 : vector<16xf32>
          %mul3A_374 = arith.mulf %gather3A_315, %gather3A_355 : vector<16xf32>
          %add3A_375 = arith.addf %add3A_373, %mul3A_374 : vector<16xf32>
          %add3A_376 = arith.addf %sub3A_370, %add3A_375 : vector<16xf32>
          %mul3A_377 = arith.mulf %add3A_362, %add3A_362 : vector<16xf32>
          %mul3A_378 = arith.mulf %add3A_369, %add3A_369 : vector<16xf32>
          %add3A_379 = arith.addf %mul3A_377, %mul3A_378 : vector<16xf32>
          %mul3A_380 = arith.mulf %add3A_376, %add3A_376 : vector<16xf32>
          %add3A_381 = arith.addf %add3A_379, %mul3A_380 : vector<16xf32>
          %bitcast3A_382 = vector.bitcast %add3A_381 : vector<16xf32> to vector<16xi32>
          %shift_right_arithmetic3A_383 = arith.constant 1 : i32
          %shift_right_arithmetic3A_384 = vector.broadcast %shift_right_arithmetic3A_383 : i32 to vector<16xi32>
          %shift_right_arithmetic3A_385 = arith.shrsi %bitcast3A_382, %shift_right_arithmetic3A_384 : vector<16xi32>
          %sub3A_386 = arith.constant 1597463007 : i32
          %sub3A_387 = vector.broadcast %sub3A_386 : i32 to vector<16xi32>
          %sub3A_388 = arith.subi %sub3A_387, %shift_right_arithmetic3A_385 : vector<16xi32>
          %bitcast3A_389 = vector.bitcast %sub3A_388 : vector<16xi32> to vector<16xf32>
          %mul3A_390 = arith.constant 5.000000e-01 : f32
          %mul3A_391 = vector.broadcast %mul3A_390 : f32 to vector<16xf32>
          %mul3A_392 = arith.mulf %mul3A_391, %add3A_381 : vector<16xf32>
          %mul3A_393 = arith.mulf %mul3A_392, %bitcast3A_389 : vector<16xf32>
          %mul3A_394 = arith.mulf %mul3A_393, %bitcast3A_389 : vector<16xf32>
          %sub3A_395 = arith.constant 1.500000e+00 : f32
          %sub3A_396 = vector.broadcast %sub3A_395 : f32 to vector<16xf32>
          %sub3A_397 = arith.subf %sub3A_396, %mul3A_394 : vector<16xf32>
          %mul3A_398 = arith.mulf %bitcast3A_389, %sub3A_397 : vector<16xf32>
          %mul3A_399 = arith.constant 5.000000e-01 : f32
          %mul3A_400 = vector.broadcast %mul3A_399 : f32 to vector<16xf32>
          %mul3A_401 = arith.mulf %mul3A_400, %add3A_381 : vector<16xf32>
          %mul3A_402 = arith.mulf %mul3A_401, %mul3A_398 : vector<16xf32>
          %mul3A_403 = arith.mulf %mul3A_402, %mul3A_398 : vector<16xf32>
          %sub3A_404 = arith.constant 1.500000e+00 : f32
          %sub3A_405 = vector.broadcast %sub3A_404 : f32 to vector<16xf32>
          %sub3A_406 = arith.subf %sub3A_405, %mul3A_403 : vector<16xf32>
          %mul3A_407 = arith.mulf %mul3A_398, %sub3A_406 : vector<16xf32>
          %mul3A_408 = arith.mulf %add3A_381, %mul3A_407 : vector<16xf32>
          %mul3A_409 = arith.constant 16 : i32
          %mul3A_410 = arith.muli %add3A_291, %mul3A_409 : i32
          %swap3A_411 = arith.index_cast %mul3A_410 : i32 to index
          %swap3A_412 = tpu.vector_load %arg24[%swap3A_411] {strides = array<i32>} : memref<1024xf32, #tpu.memory_space<vmem>>, vector<16xf32>,
          tpu.vector_store %arg24[%swap3A_411], %mul3A_408 {strides = array<i32>} : memref<1024xf32, #tpu.memory_space<vmem>>, vector<16xf32>,
          %scan3A_413 = arith.constant 2 : i32
          %scan3A_414 = arith.addi %scan3A_165, %scan3A_413 : i32
          %mul3A_415 = arith.constant 1 : i32
          %mul3A_416 = arith.muli %scan3A_414, %mul3A_415 : i32
          %add3A_417 = arith.constant 0 : i32
          %add3A_418 = arith.addi %add3A_417, %mul3A_416 : i32
          %mul3A_419 = arith.constant 16 : i32
          %mul3A_420 = arith.muli %add3A_418, %mul3A_419 : i32
          %add3A_421 = vector.broadcast %mul3A_420 : i32 to vector<16xi32>
          %add3A_422 = arith.addi %iota3A, %add3A_421 : vector<16xi32>
          %gather3A_423 = tpu.vector_load_idx %arg22[%add3A_422, %broadcast_in_dim3A_8] : memref<1024x8xf32, #tpu.memory_space<vmem>>[vector<16xi32>, vector<16xi32>], vector<16xf32>,
          %gather3A_424 = tpu.vector_load_idx %arg22[%add3A_422, %broadcast_in_dim3A_10] : memref<1024x8xf32, #tpu.memory_space<vmem>>[vector<16xi32>, vector<16xi32>], vector<16xf32>,
          %gather3A_425 = tpu.vector_load_idx %arg22[%add3A_422, %broadcast_in_dim3A_12] : memref<1024x8xf32, #tpu.memory_space<vmem>>[vector<16xi32>, vector<16xi32>], vector<16xf32>,
          %gather3A_426 = tpu.vector_load_idx %arg22[%add3A_422, %broadcast_in_dim3A_14] : memref<1024x8xf32, #tpu.memory_space<vmem>>[vector<16xi32>, vector<16xi32>], vector<16xf32>,
          %gather3A_427 = tpu.vector_load_idx %arg20[%add3A_422, %broadcast_in_dim3A_8] : memref<1024x8xf32, #tpu.memory_space<vmem>>[vector<16xi32>, vector<16xi32>], vector<16xf32>,
          %gather3A_428 = tpu.vector_load_idx %arg20[%add3A_422, %broadcast_in_dim3A_10] : memref<1024x8xf32, #tpu.memory_space<vmem>>[vector<16xi32>, vector<16xi32>], vector<16xf32>,
          %gather3A_429 = tpu.vector_load_idx %arg20[%add3A_422, %broadcast_in_dim3A_12] : memref<1024x8xf32, #tpu.memory_space<vmem>>[vector<16xi32>, vector<16xi32>], vector<16xf32>,
          %mul3A_430 = arith.constant 48 : i32
          %mul3A_431 = arith.muli %add3A_418, %mul3A_430 : i32
          %add3A_432 = vector.broadcast %mul3A_431 : i32 to vector<16xi32>
          %add3A_433 = arith.addi %mul3A_3, %add3A_432 : vector<16xi32>
          %gather3A_434 = tpu.vector_load_idx %arg18[%add3A_433] : memref<3072xf32, #tpu.memory_space<vmem>>[vector<16xi32>], vector<16xf32>,
          %add3A_435 = arith.constant 1 : i32
          %add3A_436 = vector.broadcast %add3A_435 : i32 to vector<16xi32>
          %add3A_437 = arith.addi %add3A_433, %add3A_436 : vector<16xi32>
          %gather3A_438 = tpu.vector_load_idx %arg18[%add3A_437] : memref<3072xf32, #tpu.memory_space<vmem>>[vector<16xi32>], vector<16xf32>,
          %add3A_439 = arith.constant 2 : i32
          %add3A_440 = vector.broadcast %add3A_439 : i32 to vector<16xi32>
          %add3A_441 = arith.addi %add3A_433, %add3A_440 : vector<16xi32>
          %gather3A_442 = tpu.vector_load_idx %arg18[%add3A_441] : memref<3072xf32, #tpu.memory_space<vmem>>[vector<16xi32>], vector<16xf32>,
          %convert_element_type3A_443 = arith.fptosi %gather3A_426 : vector<16xf32> to vector<16xi32>
          %shift_left3A_444 = arith.constant 4 : i32
          %shift_left3A_445 = vector.broadcast %shift_left3A_444 : i32 to vector<16xi32>
          %shift_left3A_446 = arith.shli %convert_element_type3A_443, %shift_left3A_445 : vector<16xi32>
          %add3A_447 = arith.constant 0 : i32
          %add3A_448 = vector.broadcast %add3A_447 : i32 to vector<16xi32>
          %add3A_449 = arith.addi %shift_left3A_446, %add3A_448 : vector<16xi32>
          %gather3A_450 = tpu.vector_load_idx %arg9[%add3A_449] : memref<1024xf32, #tpu.memory_space<vmem>>[vector<16xi32>], vector<16xf32>,
          %add3A_451 = arith.constant 1 : i32
          %add3A_452 = vector.broadcast %add3A_451 : i32 to vector<16xi32>
          %add3A_453 = arith.addi %shift_left3A_446, %add3A_452 : vector<16xi32>
          %gather3A_454 = tpu.vector_load_idx %arg9[%add3A_453] : memref<1024xf32, #tpu.memory_space<vmem>>[vector<16xi32>], vector<16xf32>,
          %add3A_455 = arith.constant 2 : i32
          %add3A_456 = vector.broadcast %add3A_455 : i32 to vector<16xi32>
          %add3A_457 = arith.addi %shift_left3A_446, %add3A_456 : vector<16xi32>
          %gather3A_458 = tpu.vector_load_idx %arg9[%add3A_457] : memref<1024xf32, #tpu.memory_space<vmem>>[vector<16xi32>], vector<16xf32>,
          %add3A_459 = arith.constant 3 : i32
          %add3A_460 = vector.broadcast %add3A_459 : i32 to vector<16xi32>
          %add3A_461 = arith.addi %shift_left3A_446, %add3A_460 : vector<16xi32>
          %gather3A_462 = tpu.vector_load_idx %arg9[%add3A_461] : memref<1024xf32, #tpu.memory_space<vmem>>[vector<16xi32>], vector<16xf32>,
          %add3A_463 = arith.constant 4 : i32
          %add3A_464 = vector.broadcast %add3A_463 : i32 to vector<16xi32>
          %add3A_465 = arith.addi %shift_left3A_446, %add3A_464 : vector<16xi32>
          %gather3A_466 = tpu.vector_load_idx %arg9[%add3A_465] : memref<1024xf32, #tpu.memory_space<vmem>>[vector<16xi32>], vector<16xf32>,
          %add3A_467 = arith.constant 5 : i32
          %add3A_468 = vector.broadcast %add3A_467 : i32 to vector<16xi32>
          %add3A_469 = arith.addi %shift_left3A_446, %add3A_468 : vector<16xi32>
          %gather3A_470 = tpu.vector_load_idx %arg9[%add3A_469] : memref<1024xf32, #tpu.memory_space<vmem>>[vector<16xi32>], vector<16xf32>,
          %add3A_471 = arith.constant 6 : i32
          %add3A_472 = vector.broadcast %add3A_471 : i32 to vector<16xi32>
          %add3A_473 = arith.addi %shift_left3A_446, %add3A_472 : vector<16xi32>
          %gather3A_474 = tpu.vector_load_idx %arg9[%add3A_473] : memref<1024xf32, #tpu.memory_space<vmem>>[vector<16xi32>], vector<16xf32>,
          %add3A_475 = arith.constant 7 : i32
          %add3A_476 = vector.broadcast %add3A_475 : i32 to vector<16xi32>
          %add3A_477 = arith.addi %shift_left3A_446, %add3A_476 : vector<16xi32>
          %gather3A_478 = tpu.vector_load_idx %arg9[%add3A_477] : memref<1024xf32, #tpu.memory_space<vmem>>[vector<16xi32>], vector<16xf32>,
          %add3A_479 = arith.constant 8 : i32
          %add3A_480 = vector.broadcast %add3A_479 : i32 to vector<16xi32>
          %add3A_481 = arith.addi %shift_left3A_446, %add3A_480 : vector<16xi32>
          %gather3A_482 = tpu.vector_load_idx %arg9[%add3A_481] : memref<1024xf32, #tpu.memory_space<vmem>>[vector<16xi32>], vector<16xf32>,
          %sub3A_483 = arith.subf %gather3A_427, %gather3A_423 : vector<16xf32>
          %mul3A_484 = arith.mulf %gather3A_434, %gather3A_450 : vector<16xf32>
          %mul3A_485 = arith.mulf %gather3A_438, %gather3A_462 : vector<16xf32>
          %add3A_486 = arith.addf %mul3A_484, %mul3A_485 : vector<16xf32>
          %mul3A_487 = arith.mulf %gather3A_442, %gather3A_474 : vector<16xf32>
          %add3A_488 = arith.addf %add3A_486, %mul3A_487 : vector<16xf32>
          %add3A_489 = arith.addf %sub3A_483, %add3A_488 : vector<16xf32>
          %sub3A_490 = arith.subf %gather3A_428, %gather3A_424 : vector<16xf32>
          %mul3A_491 = arith.mulf %gather3A_434, %gather3A_454 : vector<16xf32>
          %mul3A_492 = arith.mulf %gather3A_438, %gather3A_466 : vector<16xf32>
          %add3A_493 = arith.addf %mul3A_491, %mul3A_492 : vector<16xf32>
          %mul3A_494 = arith.mulf %gather3A_442, %gather3A_478 : vector<16xf32>
          %add3A_495 = arith.addf %add3A_493, %mul3A_494 : vector<16xf32>
          %add3A_496 = arith.addf %sub3A_490, %add3A_495 : vector<16xf32>
          %sub3A_497 = arith.subf %gather3A_429, %gather3A_425 : vector<16xf32>
          %mul3A_498 = arith.mulf %gather3A_434, %gather3A_458 : vector<16xf32>
          %mul3A_499 = arith.mulf %gather3A_438, %gather3A_470 : vector<16xf32>
          %add3A_500 = arith.addf %mul3A_498, %mul3A_499 : vector<16xf32>
          %mul3A_501 = arith.mulf %gather3A_442, %gather3A_482 : vector<16xf32>
          %add3A_502 = arith.addf %add3A_500, %mul3A_501 : vector<16xf32>
          %add3A_503 = arith.addf %sub3A_497, %add3A_502 : vector<16xf32>
          %mul3A_504 = arith.mulf %add3A_489, %add3A_489 : vector<16xf32>
          %mul3A_505 = arith.mulf %add3A_496, %add3A_496 : vector<16xf32>
          %add3A_506 = arith.addf %mul3A_504, %mul3A_505 : vector<16xf32>
          %mul3A_507 = arith.mulf %add3A_503, %add3A_503 : vector<16xf32>
          %add3A_508 = arith.addf %add3A_506, %mul3A_507 : vector<16xf32>
          %bitcast3A_509 = vector.bitcast %add3A_508 : vector<16xf32> to vector<16xi32>
          %shift_right_arithmetic3A_510 = arith.constant 1 : i32
          %shift_right_arithmetic3A_511 = vector.broadcast %shift_right_arithmetic3A_510 : i32 to vector<16xi32>
          %shift_right_arithmetic3A_512 = arith.shrsi %bitcast3A_509, %shift_right_arithmetic3A_511 : vector<16xi32>
          %sub3A_513 = arith.constant 1597463007 : i32
          %sub3A_514 = vector.broadcast %sub3A_513 : i32 to vector<16xi32>
          %sub3A_515 = arith.subi %sub3A_514, %shift_right_arithmetic3A_512 : vector<16xi32>
          %bitcast3A_516 = vector.bitcast %sub3A_515 : vector<16xi32> to vector<16xf32>
          %mul3A_517 = arith.constant 5.000000e-01 : f32
          %mul3A_518 = vector.broadcast %mul3A_517 : f32 to vector<16xf32>
          %mul3A_519 = arith.mulf %mul3A_518, %add3A_508 : vector<16xf32>
          %mul3A_520 = arith.mulf %mul3A_519, %bitcast3A_516 : vector<16xf32>
          %mul3A_521 = arith.mulf %mul3A_520, %bitcast3A_516 : vector<16xf32>
          %sub3A_522 = arith.constant 1.500000e+00 : f32
          %sub3A_523 = vector.broadcast %sub3A_522 : f32 to vector<16xf32>
          %sub3A_524 = arith.subf %sub3A_523, %mul3A_521 : vector<16xf32>
          %mul3A_525 = arith.mulf %bitcast3A_516, %sub3A_524 : vector<16xf32>
          %mul3A_526 = arith.constant 5.000000e-01 : f32
          %mul3A_527 = vector.broadcast %mul3A_526 : f32 to vector<16xf32>
          %mul3A_528 = arith.mulf %mul3A_527, %add3A_508 : vector<16xf32>
          %mul3A_529 = arith.mulf %mul3A_528, %mul3A_525 : vector<16xf32>
          %mul3A_530 = arith.mulf %mul3A_529, %mul3A_525 : vector<16xf32>
          %sub3A_531 = arith.constant 1.500000e+00 : f32
          %sub3A_532 = vector.broadcast %sub3A_531 : f32 to vector<16xf32>
          %sub3A_533 = arith.subf %sub3A_532, %mul3A_530 : vector<16xf32>
          %mul3A_534 = arith.mulf %mul3A_525, %sub3A_533 : vector<16xf32>
          %mul3A_535 = arith.mulf %add3A_508, %mul3A_534 : vector<16xf32>
          %mul3A_536 = arith.constant 16 : i32
          %mul3A_537 = arith.muli %add3A_418, %mul3A_536 : i32
          %swap3A_538 = arith.index_cast %mul3A_537 : i32 to index
          %swap3A_539 = tpu.vector_load %arg24[%swap3A_538] {strides = array<i32>} : memref<1024xf32, #tpu.memory_space<vmem>>, vector<16xf32>,
          tpu.vector_store %arg24[%swap3A_538], %mul3A_535 {strides = array<i32>} : memref<1024xf32, #tpu.memory_space<vmem>>, vector<16xf32>,
          %scan3A_540 = arith.constant 3 : i32
          %scan3A_541 = arith.addi %scan3A_165, %scan3A_540 : i32
          %mul3A_542 = arith.constant 1 : i32
          %mul3A_543 = arith.muli %scan3A_541, %mul3A_542 : i32
          %add3A_544 = arith.constant 0 : i32
          %add3A_545 = arith.addi %add3A_544, %mul3A_543 : i32
          %mul3A_546 = arith.constant 16 : i32
          %mul3A_547 = arith.muli %add3A_545, %mul3A_546 : i32
          %add3A_548 = vector.broadcast %mul3A_547 : i32 to vector<16xi32>
          %add3A_549 = arith.addi %iota3A, %add3A_548 : vector<16xi32>
          %gather3A_550 = tpu.vector_load_idx %arg22[%add3A_549, %broadcast_in_dim3A_8] : memref<1024x8xf32, #tpu.memory_space<vmem>>[vector<16xi32>, vector<16xi32>], vector<16xf32>,
          %gather3A_551 = tpu.vector_load_idx %arg22[%add3A_549, %broadcast_in_dim3A_10] : memref<1024x8xf32, #tpu.memory_space<vmem>>[vector<16xi32>, vector<16xi32>], vector<16xf32>,
          %gather3A_552 = tpu.vector_load_idx %arg22[%add3A_549, %broadcast_in_dim3A_12] : memref<1024x8xf32, #tpu.memory_space<vmem>>[vector<16xi32>, vector<16xi32>], vector<16xf32>,
          %gather3A_553 = tpu.vector_load_idx %arg22[%add3A_549, %broadcast_in_dim3A_14] : memref<1024x8xf32, #tpu.memory_space<vmem>>[vector<16xi32>, vector<16xi32>], vector<16xf32>,
          %gather3A_554 = tpu.vector_load_idx %arg20[%add3A_549, %broadcast_in_dim3A_8] : memref<1024x8xf32, #tpu.memory_space<vmem>>[vector<16xi32>, vector<16xi32>], vector<16xf32>,
          %gather3A_555 = tpu.vector_load_idx %arg20[%add3A_549, %broadcast_in_dim3A_10] : memref<1024x8xf32, #tpu.memory_space<vmem>>[vector<16xi32>, vector<16xi32>], vector<16xf32>,
          %gather3A_556 = tpu.vector_load_idx %arg20[%add3A_549, %broadcast_in_dim3A_12] : memref<1024x8xf32, #tpu.memory_space<vmem>>[vector<16xi32>, vector<16xi32>], vector<16xf32>,
          %mul3A_557 = arith.constant 48 : i32
          %mul3A_558 = arith.muli %add3A_545, %mul3A_557 : i32
          %add3A_559 = vector.broadcast %mul3A_558 : i32 to vector<16xi32>
          %add3A_560 = arith.addi %mul3A_3, %add3A_559 : vector<16xi32>
          %gather3A_561 = tpu.vector_load_idx %arg18[%add3A_560] : memref<3072xf32, #tpu.memory_space<vmem>>[vector<16xi32>], vector<16xf32>,
          %add3A_562 = arith.constant 1 : i32
          %add3A_563 = vector.broadcast %add3A_562 : i32 to vector<16xi32>
          %add3A_564 = arith.addi %add3A_560, %add3A_563 : vector<16xi32>
          %gather3A_565 = tpu.vector_load_idx %arg18[%add3A_564] : memref<3072xf32, #tpu.memory_space<vmem>>[vector<16xi32>], vector<16xf32>,
          %add3A_566 = arith.constant 2 : i32
          %add3A_567 = vector.broadcast %add3A_566 : i32 to vector<16xi32>
          %add3A_568 = arith.addi %add3A_560, %add3A_567 : vector<16xi32>
          %gather3A_569 = tpu.vector_load_idx %arg18[%add3A_568] : memref<3072xf32, #tpu.memory_space<vmem>>[vector<16xi32>], vector<16xf32>,
          %convert_element_type3A_570 = arith.fptosi %gather3A_553 : vector<16xf32> to vector<16xi32>
          %shift_left3A_571 = arith.constant 4 : i32
          %shift_left3A_572 = vector.broadcast %shift_left3A_571 : i32 to vector<16xi32>
          %shift_left3A_573 = arith.shli %convert_element_type3A_570, %shift_left3A_572 : vector<16xi32>
          %add3A_574 = arith.constant 0 : i32
          %add3A_575 = vector.broadcast %add3A_574 : i32 to vector<16xi32>
          %add3A_576 = arith.addi %shift_left3A_573, %add3A_575 : vector<16xi32>
          %gather3A_577 = tpu.vector_load_idx %arg9[%add3A_576] : memref<1024xf32, #tpu.memory_space<vmem>>[vector<16xi32>], vector<16xf32>,
          %add3A_578 = arith.constant 1 : i32
          %add3A_579 = vector.broadcast %add3A_578 : i32 to vector<16xi32>
          %add3A_580 = arith.addi %shift_left3A_573, %add3A_579 : vector<16xi32>
          %gather3A_581 = tpu.vector_load_idx %arg9[%add3A_580] : memref<1024xf32, #tpu.memory_space<vmem>>[vector<16xi32>], vector<16xf32>,
          %add3A_582 = arith.constant 2 : i32
          %add3A_583 = vector.broadcast %add3A_582 : i32 to vector<16xi32>
          %add3A_584 = arith.addi %shift_left3A_573, %add3A_583 : vector<16xi32>
          %gather3A_585 = tpu.vector_load_idx %arg9[%add3A_584] : memref<1024xf32, #tpu.memory_space<vmem>>[vector<16xi32>], vector<16xf32>,
          %add3A_586 = arith.constant 3 : i32
          %add3A_587 = vector.broadcast %add3A_586 : i32 to vector<16xi32>
          %add3A_588 = arith.addi %shift_left3A_573, %add3A_587 : vector<16xi32>
          %gather3A_589 = tpu.vector_load_idx %arg9[%add3A_588] : memref<1024xf32, #tpu.memory_space<vmem>>[vector<16xi32>], vector<16xf32>,
          %add3A_590 = arith.constant 4 : i32
          %add3A_591 = vector.broadcast %add3A_590 : i32 to vector<16xi32>
          %add3A_592 = arith.addi %shift_left3A_573, %add3A_591 : vector<16xi32>
          %gather3A_593 = tpu.vector_load_idx %arg9[%add3A_592] : memref<1024xf32, #tpu.memory_space<vmem>>[vector<16xi32>], vector<16xf32>,
          %add3A_594 = arith.constant 5 : i32
          %add3A_595 = vector.broadcast %add3A_594 : i32 to vector<16xi32>
          %add3A_596 = arith.addi %shift_left3A_573, %add3A_595 : vector<16xi32>
          %gather3A_597 = tpu.vector_load_idx %arg9[%add3A_596] : memref<1024xf32, #tpu.memory_space<vmem>>[vector<16xi32>], vector<16xf32>,
          %add3A_598 = arith.constant 6 : i32
          %add3A_599 = vector.broadcast %add3A_598 : i32 to vector<16xi32>
          %add3A_600 = arith.addi %shift_left3A_573, %add3A_599 : vector<16xi32>
          %gather3A_601 = tpu.vector_load_idx %arg9[%add3A_600] : memref<1024xf32, #tpu.memory_space<vmem>>[vector<16xi32>], vector<16xf32>,
          %add3A_602 = arith.constant 7 : i32
          %add3A_603 = vector.broadcast %add3A_602 : i32 to vector<16xi32>
          %add3A_604 = arith.addi %shift_left3A_573, %add3A_603 : vector<16xi32>
          %gather3A_605 = tpu.vector_load_idx %arg9[%add3A_604] : memref<1024xf32, #tpu.memory_space<vmem>>[vector<16xi32>], vector<16xf32>,
          %add3A_606 = arith.constant 8 : i32
          %add3A_607 = vector.broadcast %add3A_606 : i32 to vector<16xi32>
          %add3A_608 = arith.addi %shift_left3A_573, %add3A_607 : vector<16xi32>
          %gather3A_609 = tpu.vector_load_idx %arg9[%add3A_608] : memref<1024xf32, #tpu.memory_space<vmem>>[vector<16xi32>], vector<16xf32>,
          %sub3A_610 = arith.subf %gather3A_554, %gather3A_550 : vector<16xf32>
          %mul3A_611 = arith.mulf %gather3A_561, %gather3A_577 : vector<16xf32>
          %mul3A_612 = arith.mulf %gather3A_565, %gather3A_589 : vector<16xf32>
          %add3A_613 = arith.addf %mul3A_611, %mul3A_612 : vector<16xf32>
          %mul3A_614 = arith.mulf %gather3A_569, %gather3A_601 : vector<16xf32>
          %add3A_615 = arith.addf %add3A_613, %mul3A_614 : vector<16xf32>
          %add3A_616 = arith.addf %sub3A_610, %add3A_615 : vector<16xf32>
          %sub3A_617 = arith.subf %gather3A_555, %gather3A_551 : vector<16xf32>
          %mul3A_618 = arith.mulf %gather3A_561, %gather3A_581 : vector<16xf32>
          %mul3A_619 = arith.mulf %gather3A_565, %gather3A_593 : vector<16xf32>
          %add3A_620 = arith.addf %mul3A_618, %mul3A_619 : vector<16xf32>
          %mul3A_621 = arith.mulf %gather3A_569, %gather3A_605 : vector<16xf32>
          %add3A_622 = arith.addf %add3A_620, %mul3A_621 : vector<16xf32>
          %add3A_623 = arith.addf %sub3A_617, %add3A_622 : vector<16xf32>
          %sub3A_624 = arith.subf %gather3A_556, %gather3A_552 : vector<16xf32>
          %mul3A_625 = arith.mulf %gather3A_561, %gather3A_585 : vector<16xf32>
          %mul3A_626 = arith.mulf %gather3A_565, %gather3A_597 : vector<16xf32>
          %add3A_627 = arith.addf %mul3A_625, %mul3A_626 : vector<16xf32>
          %mul3A_628 = arith.mulf %gather3A_569, %gather3A_609 : vector<16xf32>
          %add3A_629 = arith.addf %add3A_627, %mul3A_628 : vector<16xf32>
          %add3A_630 = arith.addf %sub3A_624, %add3A_629 : vector<16xf32>
          %mul3A_631 = arith.mulf %add3A_616, %add3A_616 : vector<16xf32>
          %mul3A_632 = arith.mulf %add3A_623, %add3A_623 : vector<16xf32>
          %add3A_633 = arith.addf %mul3A_631, %mul3A_632 : vector<16xf32>
          %mul3A_634 = arith.mulf %add3A_630, %add3A_630 : vector<16xf32>
          %add3A_635 = arith.addf %add3A_633, %mul3A_634 : vector<16xf32>
          %bitcast3A_636 = vector.bitcast %add3A_635 : vector<16xf32> to vector<16xi32>
          %shift_right_arithmetic3A_637 = arith.constant 1 : i32
          %shift_right_arithmetic3A_638 = vector.broadcast %shift_right_arithmetic3A_637 : i32 to vector<16xi32>
          %shift_right_arithmetic3A_639 = arith.shrsi %bitcast3A_636, %shift_right_arithmetic3A_638 : vector<16xi32>
          %sub3A_640 = arith.constant 1597463007 : i32
          %sub3A_641 = vector.broadcast %sub3A_640 : i32 to vector<16xi32>
          %sub3A_642 = arith.subi %sub3A_641, %shift_right_arithmetic3A_639 : vector<16xi32>
          %bitcast3A_643 = vector.bitcast %sub3A_642 : vector<16xi32> to vector<16xf32>
          %mul3A_644 = arith.constant 5.000000e-01 : f32
          %mul3A_645 = vector.broadcast %mul3A_644 : f32 to vector<16xf32>
          %mul3A_646 = arith.mulf %mul3A_645, %add3A_635 : vector<16xf32>
          %mul3A_647 = arith.mulf %mul3A_646, %bitcast3A_643 : vector<16xf32>
          %mul3A_648 = arith.mulf %mul3A_647, %bitcast3A_643 : vector<16xf32>
          %sub3A_649 = arith.constant 1.500000e+00 : f32
          %sub3A_650 = vector.broadcast %sub3A_649 : f32 to vector<16xf32>
          %sub3A_651 = arith.subf %sub3A_650, %mul3A_648 : vector<16xf32>
          %mul3A_652 = arith.mulf %bitcast3A_643, %sub3A_651 : vector<16xf32>
          %mul3A_653 = arith.constant 5.000000e-01 : f32
          %mul3A_654 = vector.broadcast %mul3A_653 : f32 to vector<16xf32>
          %mul3A_655 = arith.mulf %mul3A_654, %add3A_635 : vector<16xf32>
          %mul3A_656 = arith.mulf %mul3A_655, %mul3A_652 : vector<16xf32>
          %mul3A_657 = arith.mulf %mul3A_656, %mul3A_652 : vector<16xf32>
          %sub3A_658 = arith.constant 1.500000e+00 : f32
          %sub3A_659 = vector.broadcast %sub3A_658 : f32 to vector<16xf32>
          %sub3A_660 = arith.subf %sub3A_659, %mul3A_657 : vector<16xf32>
          %mul3A_661 = arith.mulf %mul3A_652, %sub3A_660 : vector<16xf32>
          %mul3A_662 = arith.mulf %add3A_635, %mul3A_661 : vector<16xf32>
          %mul3A_663 = arith.constant 16 : i32
          %mul3A_664 = arith.muli %add3A_545, %mul3A_663 : i32
          %swap3A_665 = arith.index_cast %mul3A_664 : i32 to index
          %swap3A_666 = tpu.vector_load %arg24[%swap3A_665] {strides = array<i32>} : memref<1024xf32, #tpu.memory_space<vmem>>, vector<16xf32>,
          tpu.vector_store %arg24[%swap3A_665], %mul3A_662 {strides = array<i32>} : memref<1024xf32, #tpu.memory_space<vmem>>, vector<16xf32>,
        }
        %scan3A_150 = arith.constant 64 : i32
        %mul3A_151 = arith.constant 32 : i32
        %mul3A_152 = arith.muli %add3A_103, %mul3A_151 : i32
        %add3A_153 = arith.addi %add3A, %mul3A_152 : i32
        %mul3A_154 = arith.constant 1024 : i32
        %mul3A_155 = arith.muli %add3A_153, %mul3A_154 : i32
        %dma_start3A_156 = tpu.memref_slice %arg7[%mul3A_155] : memref<6400000xf32, #tpu.memory_space<hbm>> -> memref<1024xf32, #tpu.memory_space<hbm>>
        %dma_start3A_157 = tpu.memref_slice %arg7[%mul3A_155] : memref<6400000xf32, #tpu.memory_space<hbm>> -> memref<1024xf32, #tpu.memory_space<hbm>>
        tpu.enqueue_dma source(%arg24 : memref<1024xf32, #tpu.memory_space<vmem>>) target(%dma_start3A_157 : memref<1024xf32, #tpu.memory_space<hbm>>) target_semaphore(%arg33 : memref<!tpu.dma_semaphore, #tpu.memory_space<semaphore_mem>>)
        %add3A_158 = arith.constant 64 : i32
        %add3A_159 = arith.addi %add3A_106, %add3A_158 : i32
        %lt3A_160 = arith.constant 6250 : i32
        %lt3A_161 = arith.cmpi slt, %add3A_159, %lt3A_160 : i32
        %convert_element_type3A_162 = arith.extui %lt3A_161 : i1 to i32
        %cond3A_163 = arith.constant 0 : i32
        %cond3A_164 = arith.cmpi ne, %convert_element_type3A_162, %cond3A_163 : i32
        scf.if %cond3A_164 {
          %add3A_165 = arith.constant 2 : i32
          %add3A_166 = arith.addi %add3A_103, %add3A_165 : i32
          %mul3A_167 = arith.constant 32 : i32
          %mul3A_168 = arith.muli %add3A_166, %mul3A_167 : i32
          %add3A_169 = arith.addi %add3A, %mul3A_168 : i32
          %mul3A_170 = arith.constant 1024 : i32
          %mul3A_171 = arith.muli %add3A_169, %mul3A_170 : i32
          %mul3A_172 = arith.constant 3 : i32
          %mul3A_173 = arith.muli %mul3A_171, %mul3A_172 : i32
          %dma_start3A_174 = tpu.memref_slice %arg6[%mul3A_173] : memref<19200000xf32, #tpu.memory_space<hbm>> -> memref<3072xf32, #tpu.memory_space<hbm>>
          %dma_start3A_175 = tpu.memref_slice %arg6[%mul3A_173] : memref<19200000xf32, #tpu.memory_space<hbm>> -> memref<3072xf32, #tpu.memory_space<hbm>>
          tpu.enqueue_dma source(%dma_start3A_175 : memref<3072xf32, #tpu.memory_space<hbm>>) target(%arg18 : memref<3072xf32, #tpu.memory_space<vmem>>) target_semaphore(%arg29 : memref<!tpu.dma_semaphore, #tpu.memory_space<semaphore_mem>>)
        } else {
        }
      } else {
      }
    }
    %scan3A_51 = arith.constant 98 : i32
    %add3A_52 = arith.constant 6176 : i32
    %add3A_53 = arith.addi %add3A, %add3A_52 : i32
    %lt3A_54 = arith.constant 6250 : i32
    %lt3A_55 = arith.cmpi slt, %add3A_53, %lt3A_54 : i32
    %add3A_56 = arith.constant 64 : i32
    %add3A_57 = arith.addi %add3A_53, %add3A_56 : i32
    %ge3A = arith.constant 6250 : i32
    %ge3A_58 = arith.cmpi sge, %add3A_57, %ge3A : i32
    %and3A_59 = arith.andi %lt3A_55, %ge3A_58 : i1
    %convert_element_type3A_60 = arith.extui %and3A_59 : i1 to i32
    %cond3A_61 = arith.constant 0 : i32
    %cond3A_62 = arith.cmpi ne, %convert_element_type3A_60, %cond3A_61 : i32
    scf.if %cond3A_62 {
      %add3A_87 = arith.constant 6176 : i32
      %add3A_88 = arith.addi %add3A, %add3A_87 : i32
      %mul3A_89 = arith.constant 1024 : i32
      %mul3A_90 = arith.muli %add3A_88, %mul3A_89 : i32
      %dma_wait3A_91 = tpu.memref_slice %arg7[%mul3A_90] : memref<6400000xf32, #tpu.memory_space<hbm>> -> memref<1024xf32, #tpu.memory_space<hbm>>
      %dma_wait3A_92 = tpu.memref_slice %arg7[%mul3A_90] : memref<6400000xf32, #tpu.memory_space<hbm>> -> memref<1024xf32, #tpu.memory_space<hbm>>
      tpu.wait_dma2 semaphore(%arg33 : memref<!tpu.dma_semaphore, #tpu.memory_space<semaphore_mem>>) src(%arg24 : memref<1024xf32, #tpu.memory_space<vmem>>) dst(%dma_wait3A_92 : memref<1024xf32, #tpu.memory_space<hbm>>)
    } else {
    }
    %add3A_63 = arith.constant 6208 : i32
    %add3A_64 = arith.addi %add3A, %add3A_63 : i32
    %lt3A_65 = arith.constant 6250 : i32
    %lt3A_66 = arith.cmpi slt, %add3A_64, %lt3A_65 : i32
    %add3A_67 = arith.constant 64 : i32
    %add3A_68 = arith.addi %add3A_64, %add3A_67 : i32
    %ge3A_69 = arith.constant 6250 : i32
    %ge3A_70 = arith.cmpi sge, %add3A_68, %ge3A_69 : i32
    %and3A_71 = arith.andi %lt3A_66, %ge3A_70 : i1
    %convert_element_type3A_72 = arith.extui %and3A_71 : i1 to i32
    %cond3A_73 = arith.constant 0 : i32
    %cond3A_74 = arith.cmpi ne, %convert_element_type3A_72, %cond3A_73 : i32
    scf.if %cond3A_74 {
      %add3A_87 = arith.constant 6208 : i32
      %add3A_88 = arith.addi %add3A, %add3A_87 : i32
      %mul3A_89 = arith.constant 1024 : i32
      %mul3A_90 = arith.muli %add3A_88, %mul3A_89 : i32
      %dma_wait3A_91 = tpu.memref_slice %arg7[%mul3A_90] : memref<6400000xf32, #tpu.memory_space<hbm>> -> memref<1024xf32, #tpu.memory_space<hbm>>
      %dma_wait3A_92 = tpu.memref_slice %arg7[%mul3A_90] : memref<6400000xf32, #tpu.memory_space<hbm>> -> memref<1024xf32, #tpu.memory_space<hbm>>
      tpu.wait_dma2 semaphore(%arg32 : memref<!tpu.dma_semaphore, #tpu.memory_space<semaphore_mem>>) src(%arg23 : memref<1024xf32, #tpu.memory_space<vmem>>) dst(%dma_wait3A_92 : memref<1024xf32, #tpu.memory_space<hbm>>)
    } else {
    }
    %add3A_75 = arith.constant 6240 : i32
    %add3A_76 = arith.addi %add3A, %add3A_75 : i32
    %lt3A_77 = arith.constant 6250 : i32
    %lt3A_78 = arith.cmpi slt, %add3A_76, %lt3A_77 : i32
    %add3A_79 = arith.constant 64 : i32
    %add3A_80 = arith.addi %add3A_76, %add3A_79 : i32
    %ge3A_81 = arith.constant 6250 : i32
    %ge3A_82 = arith.cmpi sge, %add3A_80, %ge3A_81 : i32
    %and3A_83 = arith.andi %lt3A_78, %ge3A_82 : i1
    %convert_element_type3A_84 = arith.extui %and3A_83 : i1 to i32
    %cond3A_85 = arith.constant 0 : i32
    %cond3A_86 = arith.cmpi ne, %convert_element_type3A_84, %cond3A_85 : i32
    scf.if %cond3A_86 {
      %add3A_87 = arith.constant 6240 : i32
      %add3A_88 = arith.addi %add3A, %add3A_87 : i32
      %mul3A_89 = arith.constant 1024 : i32
      %mul3A_90 = arith.muli %add3A_88, %mul3A_89 : i32
      %dma_wait3A_91 = tpu.memref_slice %arg7[%mul3A_90] : memref<6400000xf32, #tpu.memory_space<hbm>> -> memref<1024xf32, #tpu.memory_space<hbm>>
      %dma_wait3A_92 = tpu.memref_slice %arg7[%mul3A_90] : memref<6400000xf32, #tpu.memory_space<hbm>> -> memref<1024xf32, #tpu.memory_space<hbm>>
      tpu.wait_dma2 semaphore(%arg33 : memref<!tpu.dma_semaphore, #tpu.memory_space<semaphore_mem>>) src(%arg24 : memref<1024xf32, #tpu.memory_space<vmem>>) dst(%dma_wait3A_92 : memref<1024xf32, #tpu.memory_space<hbm>>)
    } else {
    }
    return
  }
}

</mosaic_0001>

<sc_bundles>
// kernel: kernel.3.cloned.1.call-start
scs
__scs_entry_jumppad:
0x0: {  	(pc) =	sbr.rel $0x88, $3  }
0x1: {  	(tag) =	ssettag $0x0;
	lr =	simm.s32 $0x1  }
0x2: {  	[smem:$0x3F9C] =	sst lr;
	_ =	strace $0xD0000000  }
0x3: {  	_ = 	snop  }
0x4: {  	_ = 	snop  }
0x5: {  	_ = 	snop  }
0x6: {  	_ = 	snop  }
0x7: {  	_ = 	snop  }
__scs_overlays_trampoline_lowered:
0x8: {  	[smem:$0x3FAB] =	sst s0  }
0x9: {  	[smem:$0x3FAC] =	sst s1  }
0xa: {  	[smem:$0x3FAD] =	sst s2  }
0xb: {  	[smem:$0x3FAE] =	sst s3  }
0xc: {  	[smem:$0x3FAF] =	sst s4  }
0xd: {  	[smem:$0x3FB0] =	sst s5  }
0xe: {  	[smem:$0x3FB1] =	sst s6  }
0xf: {  	[smem:$0x3FB2] =	sst s7  }
0x10: {  	[smem:$0x3FB3] =	sst s8  }
0x11: {  	[smem:$0x3FB4] =	sst s9;
	s0 =	simm.s32 @!p0 $0x0  }
0x12: {  	s1 =	sld [smem:$0x3F9A];
	s0 =	simm.s32 @p0 $0x1  }
0x13: {  	[smem:$0x3FB5] =	sst s0;
	s0 =	simm.s32 @!p1 $0x0  }
0x14: {  	s2 =	sld [smem:$0x3F99];
	s0 =	simm.s32 @p1 $0x1  }
0x15: {  	[smem:$0x3FB6] =	sst s0;
	s0 =	simm.s32 @!p2 $0x0  }
0x16: {  	s3 =	sld [smem:$0x3FDB];
	s0 =	simm.s32 @p2 $0x1  }
0x17: {  	s4 =	simm.s32 $0x1BF5;
	[smem:$0x3FB8] =	sst s0  }
0x18: {  	s0 =	sld [smem:$0x3F9B];
	_ =	swait.ge [sflag:s4], $0x0  }
0x19: {  	s7 =	sld [smem:$0x3F9C]  }
0x1a: {  	s8 =	sadd.s32 $0xFFFFE003, lr  }
0x1b: {  	s9 =	sadd.s32 $0xFFFFFEF7, lr;
	s5 =	simm.s32 $0xFFFFFFFF;
	p2 =	slt.u32 s8, $0xFFFFF086  }
0x1c: {  	p1 =	slt.u32 s9, $0xF7A;
	s5 =	simm.s32 @!p2 $0x0  }
0x1d: {  	s5 =	simm.s32 @p1 $0x1;
	p0 =	seq.s32 s7, s2  }
0x1e: {  	s7 =	smul.u32 @!p0 $0xF7A, s2;
	p2 =	seq.s32 @!p0 s5, $0x0  }
0x1f: {  	s9 =	smul.u32 $0xF7A, s1;
	s8 =	simm.s32 @!p0 $0x1BF5;
	p2 =	por !p2, p0  }
0x20: {  	[sflag:s8] =	ssyncset.s32 @!p0 $0xFFFFF086;
	s6 =	sadd.s32 @!p0 s3, s7;
	s7 =	simm.s32 @!p0 $0x108  }
0x21: {  	s3 =	sadd.s32 s3, s9;
	s6 =	sadd.s32 @!p0 $0x88, s6;
	s7 =	simm.s32 @p2 $0x1082  }
0x22: {  	[simem:s7], [sflag:s8] =	dma.local @!p0 [hbm:s6], $0xF7A  }
0x23: {  	s9 =	sor.u32 $0xD0000000, s2;
	s6 =	simm.s32 $0x108;
	_ =	swait.ge @!p0 [sflag:s8], $0x0  }
0x24: {  	s3 =	sadd.s32 $0x88, s3;
	s6 =	simm.s32 @!p1 $0x1082;
	[sflag:s4] =	ssyncset.s32 $0xFFFFF086  }
0x25: {  	[simem:s6], [sflag:s4] =	dma.local [hbm:s3], $0xF7A  }
0x26: {  	[smem:$0x3F9C] =	sst s1;
	(tag) =	ssettag s2;
	_ =	strace s9  }
0x27: {  	s1 =	sld [smem:$0x3FAC]  }
0x28: {  	s2 =	sld [smem:$0x3FAD]  }
0x29: {  	s4 =	sld [smem:$0x3FAF]  }
0x2a: {  	p0 =	seq.s32 s5, $0x0;
	s5 =	sld [smem:$0x3FB0]  }
0x2b: {  	s6 =	sld [smem:$0x3FB1]  }
0x2c: {  	s7 =	sld [smem:$0x3FB2]  }
0x2d: {  	s3 =	simm.s32 $0x108;
	s8 =	sld [smem:$0x3FB3]  }
0x2e: {  	s3 =	simm.s32 @!p0 $0x1082;
	s9 =	sld [smem:$0x3FB4]  }
0x2f: {  	lr =	sadd.s32 s0, s3;
	s0 =	sld [smem:$0x3FAB]  }
0x30: {  	s3 =	sld [smem:$0x3FAE]  }
0x31: {  	[smem:$0x3FB7] =	sst s10  }
0x32: {  	s10 =	sld [smem:$0x3FB5];
	_ =	sdelay $0x3  }
0x33: {  	p0 =	seq.s32 s10, $0x1;
	s10 =	sld [smem:$0x3FB7];
	_ =	sdelay $0x3  }
0x34: {  	[smem:$0x3FB7] =	sst s10  }
0x35: {  	s10 =	sld [smem:$0x3FB6];
	_ =	sdelay $0x3  }
0x36: {  	p1 =	seq.s32 s10, $0x1;
	s10 =	sld [smem:$0x3FB7];
	_ =	sdelay $0x3  }
0x37: {  	[smem:$0x3FB7] =	sst s10  }
0x38: {  	s10 =	sld [smem:$0x3FB8]  }
0x39: {  	_ = 	snop;
	(pc) =	sbr.ind lr, $3  }
0x3a: {  	_ = 	snop  }
0x3b: {  	_ = 	snop  }
0x3c: {  	p2 =	seq.s32 s10, $0x1;
	s10 =	sld [smem:$0x3FB7]  }
0x3d: {  	_ =	shalt  }
0x3e: {  	_ =	shalt  }
0x3f: {  	_ =	shalt  }
0x40: {  	_ =	shalt  }
0x41: {  	_ =	shalt  }
0x42: {  	_ =	shalt  }
0x43: {  	_ =	shalt  }
0x44: {  	_ =	shalt  }
0x45: {  	_ =	shalt  }
0x46: {  	_ =	shalt  }
0x47: {  	_ =	shalt  }
0x48: {  	_ =	shalt  }
0x49: {  	_ =	shalt  }
0x4a: {  	_ =	shalt  }
0x4b: {  	_ =	shalt  }
0x4c: {  	_ =	shalt  }
0x4d: {  	_ =	shalt  }
0x4e: {  	_ =	shalt  }
0x4f: {  	_ =	shalt  }
0x50: {  	_ =	shalt  }
0x51: {  	_ =	shalt  }
0x52: {  	_ =	shalt  }
0x53: {  	_ =	shalt  }
0x54: {  	_ =	shalt  }
0x55: {  	_ =	shalt  }
0x56: {  	_ =	shalt  }
0x57: {  	_ =	shalt  }
0x58: {  	_ =	shalt  }
0x59: {  	_ =	shalt  }
0x5a: {  	_ =	shalt  }
0x5b: {  	_ =	shalt  }
0x5c: {  	_ =	shalt  }
0x5d: {  	_ =	shalt  }
0x5e: {  	_ =	shalt  }
0x5f: {  	_ =	shalt  }
0x60: {  	_ =	shalt  }
0x61: {  	_ =	shalt  }
0x62: {  	_ =	shalt  }
0x63: {  	_ =	shalt  }
0x64: {  	_ =	shalt  }
0x65: {  	_ =	shalt  }
0x66: {  	_ =	shalt  }
0x67: {  	_ =	shalt  }
0x68: {  	_ =	shalt  }
0x69: {  	_ =	shalt  }
0x6a: {  	_ =	shalt  }
0x6b: {  	_ =	shalt  }
0x6c: {  	_ =	shalt  }
0x6d: {  	_ =	shalt  }
0x6e: {  	_ =	shalt  }
0x6f: {  	_ =	shalt  }
0x70: {  	_ =	shalt  }
0x71: {  	_ =	shalt  }
0x72: {  	_ =	shalt  }
0x73: {  	_ =	shalt  }
0x74: {  	_ =	shalt  }
0x75: {  	_ =	shalt  }
0x76: {  	_ =	shalt  }
0x77: {  	_ =	shalt  }
0x78: {  	_ =	shalt  }
0x79: {  	_ =	shalt  }
0x7a: {  	_ =	shalt  }
0x7b: {  	_ =	shalt  }
0x7c: {  	_ =	shalt  }
0x7d: {  	_ =	shalt  }
0x7e: {  	_ =	shalt  }
0x7f: {  	_ =	shalt  }
0x80: {  	_ =	shalt  }
0x81: {  	_ =	shalt  }
0x82: {  	_ =	shalt  }
0x83: {  	_ =	shalt  }
0x84: {  	_ =	shalt  }
0x85: {  	_ =	shalt  }
0x86: {  	_ =	shalt  }
0x87: {  	_ =	shalt  }
.Lfunc_end0:
.L_simem_size_0:
called_computation_lowered:
.L_overlay_start_0:
0x88: {  	s2 =	sld [smem:$0x3FD9]  }
0x89: {  	s3 =	sld [smem:$0x3FFE];
	_ =	sdelay $0x1  }
0x8a: {  	s1 =	srdreg.scid  }
0x8b: {  	s0 =	sand.u32 $0x1, s1  }
0x8c: {  	s17 =	sshll.u32 s0, $0xA;
	s2 =	sadd.s32 s3, s2  }
0x8d: {  	s2 =	sadd.s32 s2, s17  }
0x8e: {  	[smem:$0x3FC3] =	sst s2  }
0x8f: {  	_ = 	snop  }
0x90: {  	s2 =	sld [smem:$0x3FD0];
	(tm) =	ssettm $0x1  }
0x91: {  	s18 =	sld [smem:$0x3FFB];
	_ =	sdelay $0x3  }
0x92: {  	_ =	strace s18  }
0x93: {  	s3 =	sld [smem:$0x3FFC];
	_ =	sdelay $0x3  }
0x94: {  	_ =	strace s3  }
0x95: {  	s3 =	sld [smem:$0x3FFD];
	_ =	sdelay $0x3  }
0x96: {  	_ =	strace s3  }
0x97: {  	_ =	strace $0x8FFFFFFF  }
0x98: {  	s19 =	sld [smem:$0x3FDB];
	_ =	sdelay $0x1  }
0x99: {  	s4 =	simm.s32 $_scs_section_size  }
0x9a: {  	s5 =	simm.s32 $_size__tile_overlayer_lowered;
	s6 =	simm.s32 $_tile_overlayer_lowered  }
0x9b: {  	s22 =	simm.s32 $0x1BFF;
	s21 =	sshll.u32 s6, $0x1;
	s3 =	sadd.s32 s4, s19  }
0x9c: {  	s7 =	simm.s32 $0x0;
	s20 =	sshll.u32 s5, $0x1;
	s5 =	sadd.s32 s21, s3  }
0x9d: {  	[timem:s7], [sflag:s22] =	dma.local [hbm:s5], s20  }
0x9e: {  	_ =	swait.ge [sflag:s22], s20  }
0x9f: {  	s4 =	ssub.s32 $0x0, s20;
	[sflag:s22] =	ssyncset.done $0x0  }
0xa0: {  	[sflag:s22] =	ssyncadd.s32 s4;
	_ =	sdelay $0x1  }
0xa1: {  	s23 =	simm.s32 $0x1B8B  }
0xa2: {  	_ =	swait.ge [sflag:s23], $0x1  }
0xa3: {  	[sflag:s23] =	ssyncset.done $0x0  }
0xa4: {  	s25 =	simm.s32 $0x1B8E;
	s24 =	sld [smem:$0x3FFE];
	[sflag:s23] =	ssyncadd.s32 $0xFFFFFFFF  }
0xa5: {  	s26 =	simm.s32 $execute0_lowered;
	[smem:$0x3FD2] =	sst s25  }
0xa6: {  	s5 =	sshll.u32 s26, $0x1;
	_ =	strace $0x80000046;
	[dreg:$0x1] =	wrdreg $0xFFFFFFFF  }
0xa7: {  	s28 =	simm.s32 $_size_execute0_lowered;
	s3 =	sadd.s32 s3, s5;
	[dreg:$0x0] =	wrdreg $0x0  }
0xa8: {  	s5 =	sshll.u32 s28, $0x1;
	[dreg:$0x2] =	wrdreg s3  }
0xa9: {  	[dreg:$0x3] =	wrdreg s5  }
0xaa: {  	[dreg:$0x4] =	wrdreg $0xC0  }
0xab: {  	_ =	task [dreg:s7], $0x5FFFF  }
0xac: {  	[dreg:$0x1] =	wrdreg $0xFFFFFFFF  }
0xad: {  	[dreg:$0x0] =	wrdreg $0x60  }
0xae: {  	[dreg:$0x2] =	wrdreg s24  }
0xaf: {  	[dreg:$0x3] =	wrdreg s2  }
0xb0: {  	[dreg:$0x4] =	wrdreg $0x0  }
0xb1: {  	[dreg:$0x5] =	wrdreg $0x9  }
0xb2: {  	_ =	task.clear_ibuf [dreg:s7], $0x6FFFF;
	_ =	strace $0x90000046  }
0xb3: {  	s29 =	simm.s32 $0x9;
	_ =	strace $0x80000048  }
0xb4: {  	_ =	swait.ge [sflag:s29], $0x1  }
0xb5: {  	[sflag:s29] =	ssyncadd.s32 $0xFFFFFFFF  }
0xb6: {  	_ =	strace $0x90000048  }
0xb7: {  	_ =	sfence  }
0xb8: {  	s30 =	sld [smem:$0x0];
	_ =	sdelay $0x2  }
0xb9: {  	s31 =	sshll.u32 s1, $0xD;
	s1 =	sshrl.u32 s1, $0x2  }
0xba: {  	s3 =	sand.u32 $0x4000, s31;
	s1 =	sadd.s32 s1, s30  }
0xbb: {  	s0 =	sor.u32 s3, s0;
	s1 =	sshll.u32 s1, $0x11  }
0xbc: {  	s0 =	sor.u32 s1, s0  }
0xbd: {  	s0 =	sadd.s32 $0x8F2B, s0  }
0xbe: {  	[sflag:s0] =	ssyncadd.remote.s32 $0x1  }
0xbf: {  	_ =	sfence.sel $0xFFFF  }
0xc0: {  	[dreg:$0x0] =	wrdreg $0xFFFFFFFF;
	(pc) =	sbr.abs _section_cstart, $3  }
0xc1: {  	[dreg:$0x1] =	wrdreg $0xFFFFFFFF  }
0xc2: {  	_ =	task.clear_ibuf [dreg:s7], $0x2FFFF;
	_ =	strace $0x9FFFFFFF  }
0xc3: {  	(tm) =	ssettm $0x7FFFFFFF  }
tec
execute0_lowered:
.L_overlay_start_1:
0x0: {  	(tag) =	ssettag $0x1  }
0x1: {  	s0 =	rddreg [dreg:$0x0]  }
0x2: {  	s1 =	rddreg [dreg:$0x1]  }
0x3: {  	s2 =	rddreg [dreg:$0x2];
	s3 =	simm.s32 $0x0;
	s4 =	srdreg.scid  }
0x4: {  	s28 =	stileid.u32;
	s30 =	simm.s32 $0x200;
	s12 =	simm.s32 $0x11200  }
0x5: {  	s13 =	simm.s32 $0x15200;
	s14 =	simm.s32 $0x10600;
	s31 =	simm.s32 $0x5  }
0x6: {  	[smem:$0x7FF] =	sst s3;
	s29 =	sadd.s32 $0x187800, s0;
	s5 =	sadd.s32 $0x1A0000, s0  }
0x7: {  	s4 =	sand.u32 $0x1, s4;
	s7 =	sadd.s32 $0xC4200, s0;
	s8 =	sadd.s32 $0xC00, s0  }
0x8: {  	s10 =	sshll.u32 s28, $0x1;
	s9 =	sadd.s32 $0x632F800, s0;
	p0 =	sgt.u32 s28, $0x4  }
0x9: {  	s26 =	sshll.u32 s28, $0x9;
	_ =	strace $0x80000047;
	[dreg:$0x5] =	wrdreg s5  }
0xa: {  	s15 =	ssub.s32 $0x2, s4;
	s10 =	sor.u32 s4, s10;
	[dreg:$0xf] =	wrdreg s26  }
0xb: {  	s26 =	simm.s32 $0xD800;
	[dreg:$0x4] =	wrdreg s29;
	s6 =	sshrl.u32 s15, $0x1  }
0xc: {  	s4 =	sshll.u32 s10, $0x7;
	s19 =	smul.u32 $0x180, s10;
	s20 =	sor.u32 $0x20, s10  }
0xd: {  	s17 =	sor.u32 $0x40, s10;
	s18 =	sor.u32 $0x60, s10;
	s16 =	ssub.s32 s15, s6  }
0xe: {  	s11 =	sadd.s32 s7, s4;
	s21 =	sshll.u32 s20, $0x7;
	s6 =	smul.u32 $0x180, s20  }
0xf: {  	s4 =	sadd.s32 s8, s4;
	s15 =	simm.s32 $0x6;
	[dreg:$0x6] =	wrdreg s11  }
0x10: {  	s20 =	simm.s32 $0x7;
	[dreg:$0x7] =	wrdreg s4;
	s22 =	sadd.s32 s9, s19  }
0x11: {  	s23 =	sadd.s32 s7, s21;
	s24 =	sadd.s32 s8, s21;
	[dreg:$0x8] =	wrdreg s22  }
0x12: {  	v5 =	vimm.s32 $0xDAFC9EB8;
	v6 =	vimm.s32 $0x52741630;
	s4 =	simm.s32 $0x9;
	s0 =	smax.u32 s16, $0x1;
	[dreg:$0x9] =	wrdreg s23  }
0x13: {  	v0 =	vlaneseq.u32;
	v7 =	vimm.s32 $0x63052741;
	v8 =	vimm.s32 $0x74163052;
	s16 =	simm.s32 $0x4;
	s11 =	simm.s32 $0x17200;
	[dreg:$0xa] =	wrdreg s24  }
.Ltmp0:
0x14: {  	v1 =	vshrl.u32 v0, $0x3;
	v2 =	vand.u32 $0x7, v0;
	v3 =	vmul.u32 $0x8, v0;
	s25 =	sadd.s32 s9, s6;
	[dreg:$0xd] =	wrdreg s0;
	(pc) =	sbr.rel .LBB2_1-.Ltmp0, $4  }
0x15: {  	v4 =	vmul.u32 $0x3, v0;
	v5 =	vunpack.c.l.s4.s8 v5;
	v9 =	vunpack.c.l.s4.s8 v6;
	s4 =	simm.s32 @!p0 $0x8;
	s0 =	simm.s32 $0x8;
	s23 =	simm.s32 $0xC400  }
0x16: {  	v10 =	vunpack.c.l.s4.s8 v7;
	v11 =	vunpack.c.l.s4.s8 v8;
	v1 =	vmul.u32 $0x8, v1;
	s24 =	simm.s32 $0xA;
	s22 =	simm.s32 $0x13200;
	[dreg:$0xb] =	wrdreg s25  }
0x17: {  	v5 =	vunpack.c.0.s8.s32 v5;
	v6 =	vadd.s32 $0x1, v4;
	v7 =	vadd.s32 $0x2, v4;
	s6 =	simm.s32 $0x0;
	[dreg:$0xc] =	wrdreg s4;
	s0 =	simm.s32 @!p0 $0x9  }
0x18: {  	v8 =	vunpack.c.0.s8.s32 v9;
	v9 =	vunpack.c.0.s8.s32 v10;
	v10 =	vunpack.c.0.s8.s32 v11;
	s25 =	simm.s32 $0x1;
	[dreg:$0xe] =	wrdreg s0;
	s0 =	simm.s32 $0xFA00  }
.LBB2_17:
0x19: {  	s4 =	rddreg [dreg:$0xc]  }
0x1a: {  	_ =	swait.ge [sflag:s4], $0x400  }
0x1b: {  	[sflag:s4] =	ssyncset.done $0x0  }
0x1c: {  	s5 =	rddreg [dreg:$0xe];
	[sflag:s4] =	ssyncadd.s32 $0xFFFFFC00  }
0x1d: {  	_ =	swait.ge [sflag:s5], $0x400  }
0x1e: {  	s6 =	rddreg [dreg:$0x10]  }
0x1f: {  	s21 =	rddreg [dreg:$0xd];
	s6 =	sadd.s32 $0x1, s6  }
0x20: {  	p0 =	sne.s32 s6, s21  }
.Ltmp1:
0x21: {  	_ = 	snop;
	(pc) =	sbr.rel @!p0 .LBB2_18-.Ltmp1, $3  }
0x22: {  	_ =	sdelay $0x1  }
0x23: {  	s28 =	stileid.u32;
	[sflag:s5] =	ssyncset.done $0x0  }
0x24: {  	s30 =	simm.s32 $0x200;
	s29 =	rddreg [dreg:$0x4];
	[sflag:s5] =	ssyncadd.s32 $0xFFFFFC00  }
.LBB2_1:
0x25: {  	[dreg:$0x10] =	wrdreg s6  }
.Ltmp2:
0x26: {  	s4 =	rddreg [dreg:$0x5];
	(pc) =	sbr.rel .LBB2_2-.Ltmp2, $4  }
0x27: {  	[tilespmem:s23], [sflag:$0xA] =	stream.linear.gather [hbm4b:s4+s3], $0x400, $0x38;
	[tilespmem:$0x19A00] =	vst v63  }
0x28: {  	_ =	swait.ge [sflag:s24], $0x400  }
0x29: {  	[sflag:s24] =	ssyncset.done $0x0  }
0x2a: {  	s5 =	simm.s32 $0x0;
	s4 =	rddreg [dreg:$0xf];
	[sflag:s24] =	ssyncadd.s32 $0xFFFFFC00  }
.LBB2_8:
0x2b: {  	s5 =	sadd.s32 $0x1, s5  }
0x2c: {  	p0 =	sne.s32 s5, $0xD  }
.Ltmp3:
0x2d: {  	_ = 	snop;
	(pc) =	sbr.rel @!p0 .LBB2_9-.Ltmp3, $2  }
0x2e: {  	_ =	sdelay $0x2  }
0x2f: {  	s4 =	sadd.s32 $0x2000, s4  }
.LBB2_2:
0x30: {  	s6 =	sshll.u32 s5, $0x4  }
0x31: {  	s6 =	sor.u32 s28, s6  }
0x32: {  	p0 =	sgt.u32 s6, $0xC3  }
.Ltmp4:
0x33: {  	_ = 	snop;
	(pc) =	sbr.rel @p0 .LBB2_8-.Ltmp4, $1  }
0x34: {  	_ =	sdelay $0x3  }
0x35: {  	s6 =	sshll.u32 s6, $0x9  }
0x36: {  	s21 =	simm.s32 $0x0;
	s19 =	sadd.s32 s29, s6;
	s6 =	simm.s32 $0xC800  }
0x37: {  	[tilespmem:s6], [sflag:$0x1] =	stream.linear.gather [hbm4b:s19+s21], $0x1000, $0x38;
	[tilespmem:$0x19A00] =	vst v63  }
0x38: {  	v11 =	vmov s21;
	_ =	swait.ge [sflag:s25], $0x1000  }
0x39: {  	v11 =	vshll.u32 v11, $0x3;
	[sflag:s25] =	ssyncset.done $0x0  }
0x3a: {  	v12 =	vor.u32 v1, v11;
	[sflag:s25] =	ssyncadd.s32 $0xFFFFF000  }
0x3b: {  	s19 =	simm.s32 $0x2;
	v12 =	vor.u32 v2, v12;
	v11 =	vld [tilespmem:s6+$0x0]  }
.LBB2_4:
0x3c: {  	p0 =	sne.s32 s19, $0x1FE  }
.Ltmp5:
0x3d: {  	_ = 	snop;
	(pc) =	sbr.rel @p0 .LBB2_4-.Ltmp5, $4  }
0x3e: {  	v13 =	vmov s19  }
0x3f: {  	v13 =	vshll.u32 v13, $0x3  }
0x40: {  	s6 =	sadd.s32 $0x10, s6;
	v13 =	vor.u32 v1, v13;
	[tilespmem:v12+s26+$0x0] =	vst.idx.msk $0xffff, v11  }
0x41: {  	s19 =	sadd.s32 $0x2, s19;
	v12 =	vor.u32 v2, v13;
	v11 =	vld [tilespmem:s6+$0x0]  }
0x42: {  	_ =	sdelay $0x3  }
0x43: {  	s6 =	simm.s32 $0x40;
	s21 =	simm.s32 $0x0;
	s19 =	smov.u32 s4;
	[tilespmem:v12+s26+$0x0] =	vst.idx.msk $0xffff, v11;
	v11 =	vor.u32 s4, v0  }
.LBB2_6:
0x44: {  	p0 =	sne.s32 s6, $0x7C0  }
0x45: {  	[tilespmem:s21+$0xE800] =	vst v11;
	s19 =	sadd.s32 $0x10, s19;
	s21 =	smov.u32 s6;
	s6 =	sadd.s32 $0x40, s6  }
.Ltmp6:
0x46: {  	(pc) =	sbr.rel @p0 .LBB2_6-.Ltmp6, $2  }
0x47: {  	_ =	sdelay $0x2  }
0x48: {  	v11 =	vor.u32 s19, v0;
	s21 =	sshra.s32 s21, $0x2  }
.Ltmp7:
0x49: {  	[tilespmem:s21+$0xE800] =	vst v11;
	s6 =	simm.s32 $0xE800;
	(pc) =	sbr.rel .LBB2_8-.Ltmp7, $4  }
0x4a: {  	[spmem:s2] =	stream.indirect.scatter [tilespmem:s26], [sflag:$0xA], $0x8, s6, s30, $0xb8;
	[tilespmem:$0x19A00] =	vst v63  }
0x4b: {  	_ =	swait.ge [sflag:s24], $0x1000  }
0x4c: {  	[sflag:s24] =	ssyncset.done $0x0  }
0x4d: {  	[sflag:s24] =	ssyncadd.s32 $0xFFFFF000  }
.LBB2_9:
0x4e: {  	[bflag:$0x0] =	sbarrier.arrive $0xFFFF  }
0x4f: {  	s21 =	simm.s32 $0x0;
	s5 =	simm.s32 $0xEA00;
	s4 =	rddreg [dreg:$0x6]  }
0x50: {  	[tilespmem:s5], [sflag:$0x2] =	stream.linear.gather [hbm4b:s4+s21], $0x400, $0x38;
	[tilespmem:$0x19A00] =	vst v63  }
0x51: {  	s6 =	simm.s32 $0xF200;
	s19 =	rddreg [dreg:$0x7]  }
0x52: {  	[tilespmem:s6], [sflag:$0x2] =	stream.linear.gather [hbm4b:s19+s21], $0x400, $0x38;
	[tilespmem:$0x19A00] =	vst v63  }
0x53: {  	s29 =	simm.s32 $0x2;
	s28 =	rddreg [dreg:$0x8]  }
0x54: {  	[tilespmem:s0], [sflag:$0x4] =	stream.linear.gather [hbm4b:s28+s21], $0xC00, $0x38;
	[tilespmem:$0x19A00] =	vst v63  }
0x55: {  	_ =	swait.ge [sflag:s29], $0x400  }
0x56: {  	[sflag:s29] =	ssyncset.done $0x0  }
0x57: {  	[sflag:s29] =	ssyncadd.s32 $0xFFFFFC00  }
0x58: {  	_ =	swait.ge [sflag:s29], $0x400  }
0x59: {  	[sflag:s29] =	ssyncset.done $0x0  }
0x5a: {  	s30 =	simm.s32 $0x400;
	[sflag:s29] =	ssyncadd.s32 $0xFFFFFC00  }
0x5b: {  	[tilespmem:s12], [sflag:$0x6] =	stream.indirect.gather [spmem:s2], $0x8, s5, s30, $0xb8;
	[tilespmem:$0x19A00] =	vst v63  }
0x5c: {  	_ = 	snop  }
0x5d: {  	[tilespmem:s13], [sflag:$0x6] =	stream.indirect.gather [spmem:s2], $0x8, s6, s30, $0xb8;
	[tilespmem:$0x19A00] =	vst v63  }
0x5e: {  	s19 =	simm.s32 $0xEE00;
	s6 =	rddreg [dreg:$0x9]  }
0x5f: {  	[tilespmem:s19], [sflag:$0x3] =	stream.linear.gather [hbm4b:s6+s21], $0x400, $0x38;
	[tilespmem:$0x19A00] =	vst v63  }
.Ltmp8:
0x60: {  	_ = 	snop;
	(pc) =	sbr.rel .LBB2_10-.Ltmp8, $4  }
0x61: {  	s28 =	rddreg [dreg:$0xa];
	s29 =	simm.s32 $0xF600  }
0x62: {  	[tilespmem:s29], [sflag:$0x3] =	stream.linear.gather [hbm4b:s28+s21], $0x400, $0x38;
	[tilespmem:$0x19A00] =	vst v63  }
0x63: {  	s30 =	rddreg [dreg:$0xb]  }
0x64: {  	[tilespmem:s14], [sflag:$0x5] =	stream.linear.gather [hbm4b:s30+s21], $0xC00, $0x38;
	[tilespmem:$0x19A00] =	vst v63  }
.LBB2_16:
0x65: {  	s21 =	sadd.s32 $0x1, s21  }
0x66: {  	p0 =	sne.s32 s21, $0x62  }
.Ltmp9:
0x67: {  	_ = 	snop;
	(pc) =	sbr.rel @!p0 .LBB2_17-.Ltmp9, $1  }
0x68: {  	_ =	sdelay $0x3  }
.LBB2_10:
0x69: {  	_ =	swait.ge [sflag:s15], $0x2000  }
0x6a: {  	[sflag:s15] =	ssyncset.done $0x0  }
0x6b: {  	s19 =	sshll.u32 s21, $0x6;
	[sflag:s15] =	ssyncadd.s32 $0xFFFFE000  }
0x6c: {  	s28 =	sor.u32 s10, s19;
	_ =	swait.ge [sflag:s15], $0x2000  }
0x6d: {  	p2 =	sgt.u32 s28, $0x1849;
	[sflag:s15] =	ssyncset.done $0x0  }
0x6e: {  	s4 =	simm.s32 @!p2 $0x3;
	[sflag:s15] =	ssyncadd.s32 $0xFFFFE000  }
0x6f: {  	_ =	swait.ge @!p2 [sflag:s4], $0x400  }
0x70: {  	[sflag:s4] =	ssyncset.done @!p2 $0x0  }
0x71: {  	[sflag:s4] =	ssyncadd.s32 @!p2 $0xFFFFFC00  }
0x72: {  	_ =	swait.ge @!p2 [sflag:s4], $0x400  }
0x73: {  	s5 =	simm.s32 @!p2 $0xEE00;
	s6 =	simm.s32 @!p2 $0x13200;
	[sflag:s4] =	ssyncset.done @!p2 $0x0  }
0x74: {  	p1 =	sgt.u32 @!p2 s28, $0x1829;
	[sflag:s4] =	ssyncadd.s32 @!p2 $0xFFFFFC00;
	s4 =	simm.s32 @!p2 $0x400  }
0x75: {  	[tilespmem:s6], [sflag:$0x7] =	stream.indirect.gather @!p2 [spmem:s2], $0x8, s5, s4, $0xb8;
	[tilespmem:$0x19A00] =	vst v63  }
0x76: {  	p3 =	por p1, p2;
	s5 =	simm.s32 @!p2 $0xF600;
	s6 =	simm.s32 @!p2 $0x17200  }
0x77: {  	[tilespmem:s6], [sflag:$0x7] =	stream.indirect.gather @!p2 [spmem:s2], $0x8, s5, s4, $0xb8;
	[tilespmem:$0x19A00] =	vst v63  }
0x78: {  	s4 =	sadd.s32 @!p3 s17, s19  }
0x79: {  	s4 =	sshll.u32 @!p3 s4, $0x7  }
0x7a: {  	s29 =	simm.s32 @!p3 $0xEA00;
	s6 =	simm.s32 @!p3 $0x0;
	s5 =	sadd.s32 @!p3 s7, s4  }
0x7b: {  	[tilespmem:s29], [sflag:$0x2] =	stream.linear.gather @!p3 [hbm4b:s5+s6], $0x400, $0x38;
	[tilespmem:$0x19A00] =	vst v63  }
0x7c: {  	s4 =	sadd.s32 @!p3 s8, s4;
	s5 =	simm.s32 @!p3 $0xF200  }
0x7d: {  	[tilespmem:s5], [sflag:$0x2] =	stream.linear.gather @!p3 [hbm4b:s4+s6], $0x400, $0x38;
	[tilespmem:$0x19A00] =	vst v63  }
0x7e: {  	p0 =	seq.s32 s21, $0x0;
	p4 =	por @!p2 $0x0, $0x0;
	_ =	swait.ge [sflag:s16], $0xC00  }
0x7f: {  	p1 =	por !p1, p2;
	s29 =	simm.s32 $0xFFFFFFFC;
	[sflag:s16] =	ssyncset.done $0x0  }
0x80: {  	s4 =	simm.s32 @!p0 $0x8;
	p3 =	por @!p3 $0x1, $0x1;
	[sflag:s16] =	ssyncadd.s32 $0xFFFFF400  }
0x81: {  	s6 =	simm.s32 $0x90;
	s5 =	simm.s32 $0x19220;
	_ =	swait.ge @!p0 [sflag:s4], $0x400  }
0x82: {  	p3 =	por @!p1 p4, p4;
	p1 =	por $0x0, $0x0;
	[sflag:s4] =	ssyncset.done @!p0 $0x0  }
0x83: {  	p1 =	por @!p2 p3, p3;
	[sflag:s4] =	ssyncadd.s32 @!p0 $0xFFFFFC00;
	s4 =	simm.s32 $0x0  }
.LBB2_11:
0x84: {  	v11 =	vmov s4  }
0x85: {  	v11 =	vshll.u32 v11, $0x3  }
0x86: {  	v11 =	vor.u32 v3, v11  }
0x87: {  	v12 =	vor.u32 $0x3, v11;
	_ =	sdelay $0x4  }
0x88: {  	s30 =	sadd.s32 $0xFFFFFF70, s6;
	v12 =	vld.idx.msk [tilespmem:v12+s13+$0x0], $0xffff  }
0x89: {  	v15 =	vor.u32 s30, v6  }
0x8a: {  	v17 =	vor.u32 s30, v7;
	_ =	sdelay $0x1  }
0x8b: {  	v14 =	vor.u32 s30, v4  }
0x8c: {  	v14 =	vand.u32 v5, v14;
	v12 =	vtrunc.f32 v12  }
0x8d: {  	v13 =	vor.u32 $0x1, v11;
	v15 =	vld.idx.msk [tilespmem:v15+s0+$0x0], $0xffff;
	v12 =	vcvt.f32.s32 v12  }
0x8e: {  	v17 =	vld.idx.msk [tilespmem:v17+s0+$0x0], $0xffff  }
0x8f: {  	v16 =	vld.idx.msk [tilespmem:v11+s13+$0x0], $0xffff;
	v12 =	vshll.u32 v12, $0x4  }
0x90: {  	v19 =	vld.idx.msk [tilespmem:v11+s12+$0x0], $0xffff;
	v20 =	vor.u32 $0x1, v12  }
0x91: {  	v14 =	vld.idx.msk [tilespmem:v14+s0+$0x0], $0xffff;
	v21 =	vor.u32 $0x2, v12  }
0x92: {  	v18 =	vld.idx.msk [tilespmem:v13+s13+$0x0], $0xffff;
	v22 =	vor.u32 $0x3, v12  }
0x93: {  	v13 =	vld.idx.msk [tilespmem:v13+s12+$0x0], $0xffff;
	v23 =	vor.u32 $0x4, v12  }
0x94: {  	v25 =	vor.u32 $0x6, v12;
	v24 =	vld.idx.msk [tilespmem:v12+s23+$0x0], $0xffff  }
0x95: {  	v26 =	vor.u32 $0x7, v12;
	v20 =	vld.idx.msk [tilespmem:v20+s23+$0x0], $0xffff  }
0x96: {  	v27 =	vor.u32 $0x5, v12;
	v21 =	vld.idx.msk [tilespmem:v21+s23+$0x0], $0xffff  }
0x97: {  	v11 =	vor.u32 $0x2, v11;
	v22 =	vld.idx.msk [tilespmem:v22+s23+$0x0], $0xffff  }
0x98: {  	v12 =	vor.u32 $0x8, v12;
	v23 =	vld.idx.msk [tilespmem:v23+s23+$0x0], $0xffff  }
0x99: {  	v25 =	vld.idx.msk [tilespmem:v25+s23+$0x0], $0xffff  }
0x9a: {  	v26 =	vld.idx.msk [tilespmem:v26+s23+$0x0], $0xffff  }
0x9b: {  	v27 =	vld.idx.msk [tilespmem:v27+s23+$0x0], $0xffff  }
0x9c: {  	v28 =	vld.idx.msk [tilespmem:v11+s13+$0x0], $0xffff  }
0x9d: {  	v24 =	vmul.f32 v24, v14;
	v12 =	vld.idx.msk [tilespmem:v12+s23+$0x0], $0xffff;
	v22 =	vmul.f32 v22, v15  }
0x9e: {  	v11 =	vld.idx.msk [tilespmem:v11+s12+$0x0], $0xffff;
	v16 =	vsub.f32 v19, v16;
	v20 =	vmul.f32 v20, v14;
	v23 =	vmul.f32 v23, v15  }
0x9f: {  	v47 =	vmul.f32 v25, v17;
	v49 =	vmul.f32 v26, v17;
	v22 =	vadd.f32 v22, v24  }
0xa0: {  	v14 =	vmul.f32 v21, v14;
	v15 =	vmul.f32 v27, v15;
	v48 =	vadd.f32 v23, v20  }
0xa1: {  	v13 =	vsub.f32 v13, v18;
	v22 =	vadd.f32 v47, v22  }
0xa2: {  	v14 =	vadd.f32 v15, v14;
	v50 =	vadd.f32 v49, v48;
	v12 =	vmul.f32 v12, v17  }
0xa3: {  	v11 =	vsub.f32 v11, v28;
	v51 =	vadd.f32 v22, v16  }
0xa4: {  	v13 =	vadd.f32 v50, v13;
	v12 =	vadd.f32 v12, v14;
	_ =	sdelay $0x1  }
0xa5: {  	v11 =	vadd.f32 v12, v11;
	v52 =	vmul.f32 v51, v51;
	v13 =	vmul.f32 v13, v13;
	_ =	sdelay $0x1  }
0xa6: {  	v12 =	vadd.f32 v13, v52;
	v11 =	vmul.f32 v11, v11;
	_ =	sdelay $0x1  }
0xa7: {  	v11 =	vadd.f32 v11, v12;
	_ =	sdelay $0x1  }
0xa8: {  	v12 =	vshra.s32 v11, $0x1;
	v53 =	vmul.f32 $5.000000000e-01, v11  }
0xa9: {  	v12 =	vsub.s32 $0x5F3759DF, v12  }
0xaa: {  	v54 =	vmul.f32 v12, v53;
	_ =	sdelay $0x1  }
0xab: {  	v14 =	vmul.f32 v12, v54;
	_ =	sdelay $0x1  }
0xac: {  	v14 =	vsub.f32 $1.500000000e+00, v14;
	_ =	sdelay $0x1  }
0xad: {  	v12 =	vmul.f32 v12, v14;
	_ =	sdelay $0x1  }
0xae: {  	v13 =	vmul.f32 v12, v53;
	_ =	sdelay $0x1  }
0xaf: {  	s30 =	sadd.s32 $0x10, s4;
	v13 =	vmul.f32 v13, v12  }
0xb0: {  	v55 =	vmov s30  }
0xb1: {  	v14 =	vshll.u32 v55, $0x3;
	v13 =	vsub.f32 $1.500000000e+00, v13  }
0xb2: {  	v14 =	vor.u32 v3, v14  }
0xb3: {  	v56 =	vor.u32 $0x3, v14;
	v12 =	vmul.f32 v13, v12;
	_ =	sdelay $0x1  }
0xb4: {  	v11 =	vmul.f32 v12, v11;
	_ =	sdelay $0x1  }
0xb5: {  	[tilespmem:s5+$0xFFFFFFE0] =	vst v11  }
0xb6: {  	v11 =	vld.idx.msk [tilespmem:v56+s13+$0x0], $0xffff  }
0xb7: {  	s30 =	sadd.s32 $0xFFFFFFA0, s6  }
0xb8: {  	v59 =	vadd.s32 s30, v6;
	v58 =	vor.u32 $0x1, v14  }
0xb9: {  	v60 =	vadd.s32 s30, v7;
	v15 =	vand.u32 $0x1FF8, v59  }
0xba: {  	v15 =	vor.u32 v9, v15;
	v16 =	vand.u32 $0x1FF8, v60  }
0xbb: {  	v57 =	vadd.s32 s30, v4;
	v16 =	vor.u32 v10, v16;
	v11 =	vtrunc.f32 v11  }
0xbc: {  	v12 =	vand.u32 $0x1FF8, v57;
	v61 =	vld.idx.msk [tilespmem:v14+s13+$0x0], $0xffff;
	v11 =	vcvt.f32.s32 v11  }
0xbd: {  	v12 =	vor.u32 v8, v12;
	v62 =	vld.idx.msk [tilespmem:v58+s13+$0x0], $0xffff  }
0xbe: {  	v63 =	vld.idx.msk [tilespmem:v14+s12+$0x0], $0xffff;
	v11 =	vshll.u32 v11, $0x4  }
0xbf: {  	v15 =	vld.idx.msk [tilespmem:v15+s0+$0x0], $0xffff;
	v29 =	vor.u32 $0x1, v11  }
0xc0: {  	v16 =	vld.idx.msk [tilespmem:v16+s0+$0x0], $0xffff;
	v30 =	vor.u32 $0x2, v11  }
0xc1: {  	v13 =	vld.idx.msk [tilespmem:v58+s12+$0x0], $0xffff;
	v31 =	vor.u32 $0x3, v11  }
0xc2: {  	v12 =	vld.idx.msk [tilespmem:v12+s0+$0x0], $0xffff;
	v32 =	vor.u32 $0x4, v11  }
0xc3: {  	v34 =	vor.u32 $0x6, v11;
	v33 =	vld.idx.msk [tilespmem:v11+s23+$0x0], $0xffff  }
0xc4: {  	v35 =	vor.u32 $0x7, v11;
	v20 =	vld.idx.msk [tilespmem:v29+s23+$0x0], $0xffff  }
0xc5: {  	v36 =	vor.u32 $0x5, v11;
	v21 =	vld.idx.msk [tilespmem:v30+s23+$0x0], $0xffff  }
0xc6: {  	v14 =	vor.u32 $0x2, v14;
	v22 =	vld.idx.msk [tilespmem:v31+s23+$0x0], $0xffff  }
0xc7: {  	v11 =	vor.u32 $0x8, v11;
	v23 =	vld.idx.msk [tilespmem:v32+s23+$0x0], $0xffff  }
0xc8: {  	v25 =	vld.idx.msk [tilespmem:v34+s23+$0x0], $0xffff  }
0xc9: {  	v26 =	vld.idx.msk [tilespmem:v35+s23+$0x0], $0xffff  }
0xca: {  	v27 =	vld.idx.msk [tilespmem:v36+s23+$0x0], $0xffff  }
0xcb: {  	v37 =	vld.idx.msk [tilespmem:v14+s13+$0x0], $0xffff  }
0xcc: {  	v24 =	vmul.f32 v33, v12;
	v11 =	vld.idx.msk [tilespmem:v11+s23+$0x0], $0xffff;
	v22 =	vmul.f32 v22, v15  }
0xcd: {  	v14 =	vld.idx.msk [tilespmem:v14+s12+$0x0], $0xffff;
	v17 =	vsub.f32 v63, v61;
	v20 =	vmul.f32 v20, v12;
	v23 =	vmul.f32 v23, v15  }
0xce: {  	v38 =	vmul.f32 v25, v16;
	v40 =	vmul.f32 v26, v16;
	v22 =	vadd.f32 v22, v24  }
0xcf: {  	v12 =	vmul.f32 v21, v12;
	v15 =	vmul.f32 v27, v15;
	v39 =	vadd.f32 v23, v20  }
0xd0: {  	v13 =	vsub.f32 v13, v62;
	v22 =	vadd.f32 v38, v22  }
0xd1: {  	v12 =	vadd.f32 v15, v12;
	v41 =	vadd.f32 v40, v39;
	v11 =	vmul.f32 v11, v16  }
0xd2: {  	v14 =	vsub.f32 v14, v37;
	v42 =	vadd.f32 v22, v17  }
0xd3: {  	v13 =	vadd.f32 v41, v13;
	v11 =	vadd.f32 v11, v12;
	_ =	sdelay $0x1  }
0xd4: {  	v11 =	vadd.f32 v11, v14;
	v43 =	vmul.f32 v42, v42;
	v13 =	vmul.f32 v13, v13;
	_ =	sdelay $0x1  }
0xd5: {  	v12 =	vadd.f32 v13, v43;
	v11 =	vmul.f32 v11, v11;
	_ =	sdelay $0x1  }
0xd6: {  	v11 =	vadd.f32 v11, v12;
	_ =	sdelay $0x1  }
0xd7: {  	v12 =	vshra.s32 v11, $0x1;
	v44 =	vmul.f32 $5.000000000e-01, v11  }
0xd8: {  	v12 =	vsub.s32 $0x5F3759DF, v12  }
0xd9: {  	v45 =	vmul.f32 v12, v44;
	_ =	sdelay $0x1  }
0xda: {  	v14 =	vmul.f32 v12, v45;
	_ =	sdelay $0x1  }
0xdb: {  	v14 =	vsub.f32 $1.500000000e+00, v14;
	_ =	sdelay $0x1  }
0xdc: {  	v12 =	vmul.f32 v12, v14;
	_ =	sdelay $0x1  }
0xdd: {  	v13 =	vmul.f32 v12, v44;
	_ =	sdelay $0x1  }
0xde: {  	s30 =	sadd.s32 $0x20, s4;
	v13 =	vmul.f32 v13, v12  }
0xdf: {  	v46 =	vmov s30  }
0xe0: {  	v14 =	vshll.u32 v46, $0x3;
	v13 =	vsub.f32 $1.500000000e+00, v13  }
0xe1: {  	v14 =	vor.u32 v3, v14  }
0xe2: {  	v47 =	vor.u32 $0x3, v14;
	v12 =	vmul.f32 v13, v12;
	_ =	sdelay $0x1  }
0xe3: {  	v11 =	vmul.f32 v12, v11;
	_ =	sdelay $0x1  }
0xe4: {  	[tilespmem:s5+$0xFFFFFFF0] =	vst v11  }
0xe5: {  	v11 =	vld.idx.msk [tilespmem:v47+s13+$0x0], $0xffff  }
0xe6: {  	s30 =	sadd.s32 $0xFFFFFFD0, s6  }
0xe7: {  	v50 =	vadd.s32 s30, v6;
	v49 =	vor.u32 $0x1, v14  }
0xe8: {  	v51 =	vadd.s32 s30, v7;
	v15 =	vand.u32 $0x1FF8, v50  }
0xe9: {  	v15 =	vor.u32 v9, v15;
	v16 =	vand.u32 $0x1FF8, v51  }
0xea: {  	v48 =	vadd.s32 s30, v4;
	v16 =	vor.u32 v10, v16;
	v11 =	vtrunc.f32 v11  }
0xeb: {  	v12 =	vand.u32 $0x1FF8, v48;
	v52 =	vld.idx.msk [tilespmem:v14+s13+$0x0], $0xffff;
	v11 =	vcvt.f32.s32 v11  }
0xec: {  	v12 =	vor.u32 v8, v12;
	v53 =	vld.idx.msk [tilespmem:v49+s13+$0x0], $0xffff  }
0xed: {  	v54 =	vld.idx.msk [tilespmem:v14+s12+$0x0], $0xffff;
	v11 =	vshll.u32 v11, $0x4  }
0xee: {  	v15 =	vld.idx.msk [tilespmem:v15+s0+$0x0], $0xffff;
	v55 =	vor.u32 $0x1, v11  }
0xef: {  	v16 =	vld.idx.msk [tilespmem:v16+s0+$0x0], $0xffff;
	v56 =	vor.u32 $0x2, v11  }
0xf0: {  	v13 =	vld.idx.msk [tilespmem:v49+s12+$0x0], $0xffff;
	v57 =	vor.u32 $0x3, v11  }
0xf1: {  	v12 =	vld.idx.msk [tilespmem:v12+s0+$0x0], $0xffff;
	v58 =	vor.u32 $0x4, v11  }
0xf2: {  	v60 =	vor.u32 $0x6, v11;
	v59 =	vld.idx.msk [tilespmem:v11+s23+$0x0], $0xffff  }
0xf3: {  	v61 =	vor.u32 $0x7, v11;
	v20 =	vld.idx.msk [tilespmem:v55+s23+$0x0], $0xffff  }
0xf4: {  	v62 =	vor.u32 $0x5, v11;
	v21 =	vld.idx.msk [tilespmem:v56+s23+$0x0], $0xffff  }
0xf5: {  	v14 =	vor.u32 $0x2, v14;
	v22 =	vld.idx.msk [tilespmem:v57+s23+$0x0], $0xffff  }
0xf6: {  	v11 =	vor.u32 $0x8, v11;
	v23 =	vld.idx.msk [tilespmem:v58+s23+$0x0], $0xffff  }
0xf7: {  	v25 =	vld.idx.msk [tilespmem:v60+s23+$0x0], $0xffff  }
0xf8: {  	v26 =	vld.idx.msk [tilespmem:v61+s23+$0x0], $0xffff  }
0xf9: {  	v27 =	vld.idx.msk [tilespmem:v62+s23+$0x0], $0xffff  }
0xfa: {  	v63 =	vld.idx.msk [tilespmem:v14+s13+$0x0], $0xffff  }
0xfb: {  	v24 =	vmul.f32 v59, v12;
	v11 =	vld.idx.msk [tilespmem:v11+s23+$0x0], $0xffff;
	v22 =	vmul.f32 v22, v15  }
0xfc: {  	v14 =	vld.idx.msk [tilespmem:v14+s12+$0x0], $0xffff;
	v17 =	vsub.f32 v54, v52;
	v20 =	vmul.f32 v20, v12;
	v23 =	vmul.f32 v23, v15  }
0xfd: {  	v30 =	vmul.f32 v25, v16;
	v32 =	vmul.f32 v26, v16;
	v22 =	vadd.f32 v22, v24  }
0xfe: {  	v12 =	vmul.f32 v21, v12;
	v15 =	vmul.f32 v27, v15;
	v31 =	vadd.f32 v23, v20  }
0xff: {  	v13 =	vsub.f32 v13, v53;
	v22 =	vadd.f32 v30, v22  }
0x100: {  	v12 =	vadd.f32 v15, v12;
	v33 =	vadd.f32 v32, v31;
	v11 =	vmul.f32 v11, v16  }
0x101: {  	v14 =	vsub.f32 v14, v63;
	v34 =	vadd.f32 v22, v17  }
0x102: {  	v13 =	vadd.f32 v33, v13;
	v11 =	vadd.f32 v11, v12;
	_ =	sdelay $0x1  }
0x103: {  	v11 =	vadd.f32 v11, v14;
	v35 =	vmul.f32 v34, v34;
	v13 =	vmul.f32 v13, v13;
	_ =	sdelay $0x1  }
0x104: {  	v12 =	vadd.f32 v13, v35;
	v11 =	vmul.f32 v11, v11;
	_ =	sdelay $0x1  }
0x105: {  	v11 =	vadd.f32 v11, v12;
	_ =	sdelay $0x1  }
0x106: {  	v12 =	vshra.s32 v11, $0x1;
	v36 =	vmul.f32 $5.000000000e-01, v11  }
0x107: {  	v12 =	vsub.s32 $0x5F3759DF, v12  }
0x108: {  	v37 =	vmul.f32 v12, v36;
	_ =	sdelay $0x1  }
0x109: {  	v14 =	vmul.f32 v12, v37;
	_ =	sdelay $0x1  }
0x10a: {  	v14 =	vsub.f32 $1.500000000e+00, v14;
	_ =	sdelay $0x1  }
0x10b: {  	v12 =	vmul.f32 v12, v14;
	_ =	sdelay $0x1  }
0x10c: {  	v13 =	vmul.f32 v12, v36;
	_ =	sdelay $0x1  }
0x10d: {  	s30 =	sadd.s32 $0x30, s4;
	v13 =	vmul.f32 v13, v12  }
0x10e: {  	v38 =	vmov s30  }
0x10f: {  	v14 =	vshll.u32 v38, $0x3;
	v13 =	vsub.f32 $1.500000000e+00, v13  }
0x110: {  	v14 =	vor.u32 v3, v14  }
0x111: {  	v39 =	vor.u32 $0x3, v14;
	v12 =	vmul.f32 v13, v12;
	_ =	sdelay $0x1  }
0x112: {  	v11 =	vmul.f32 v12, v11;
	_ =	sdelay $0x1  }
0x113: {  	[tilespmem:s5+$0x0] =	vst v11  }
0x114: {  	v11 =	vld.idx.msk [tilespmem:v39+s13+$0x0], $0xffff;
	_ =	sdelay $0x1  }
0x115: {  	v42 =	vadd.s32 s6, v6;
	v41 =	vor.u32 $0x1, v14  }
0x116: {  	v43 =	vadd.s32 s6, v7;
	v15 =	vand.u32 $0x1FF8, v42  }
0x117: {  	v15 =	vor.u32 v9, v15;
	v16 =	vand.u32 $0x1FF8, v43  }
0x118: {  	v40 =	vadd.s32 s6, v4;
	v16 =	vor.u32 v10, v16;
	v11 =	vtrunc.f32 v11  }
0x119: {  	v12 =	vand.u32 $0x1FF8, v40;
	v44 =	vld.idx.msk [tilespmem:v14+s13+$0x0], $0xffff;
	v11 =	vcvt.f32.s32 v11  }
0x11a: {  	v12 =	vor.u32 v8, v12;
	v45 =	vld.idx.msk [tilespmem:v41+s13+$0x0], $0xffff  }
0x11b: {  	v46 =	vld.idx.msk [tilespmem:v14+s12+$0x0], $0xffff;
	v11 =	vshll.u32 v11, $0x4  }
0x11c: {  	v15 =	vld.idx.msk [tilespmem:v15+s0+$0x0], $0xffff;
	v47 =	vor.u32 $0x1, v11  }
0x11d: {  	v16 =	vld.idx.msk [tilespmem:v16+s0+$0x0], $0xffff;
	v48 =	vor.u32 $0x2, v11  }
0x11e: {  	v13 =	vld.idx.msk [tilespmem:v41+s12+$0x0], $0xffff;
	v49 =	vor.u32 $0x3, v11  }
0x11f: {  	v12 =	vld.idx.msk [tilespmem:v12+s0+$0x0], $0xffff;
	v50 =	vor.u32 $0x4, v11  }
0x120: {  	v52 =	vor.u32 $0x6, v11;
	v51 =	vld.idx.msk [tilespmem:v11+s23+$0x0], $0xffff  }
0x121: {  	v53 =	vor.u32 $0x7, v11;
	v20 =	vld.idx.msk [tilespmem:v47+s23+$0x0], $0xffff  }
0x122: {  	v54 =	vor.u32 $0x5, v11;
	v21 =	vld.idx.msk [tilespmem:v48+s23+$0x0], $0xffff  }
0x123: {  	v14 =	vor.u32 $0x2, v14;
	v22 =	vld.idx.msk [tilespmem:v49+s23+$0x0], $0xffff  }
0x124: {  	v11 =	vor.u32 $0x8, v11;
	v23 =	vld.idx.msk [tilespmem:v50+s23+$0x0], $0xffff  }
0x125: {  	v25 =	vld.idx.msk [tilespmem:v52+s23+$0x0], $0xffff  }
0x126: {  	v26 =	vld.idx.msk [tilespmem:v53+s23+$0x0], $0xffff  }
0x127: {  	v27 =	vld.idx.msk [tilespmem:v54+s23+$0x0], $0xffff  }
0x128: {  	v55 =	vld.idx.msk [tilespmem:v14+s13+$0x0], $0xffff  }
0x129: {  	v24 =	vmul.f32 v51, v12;
	v11 =	vld.idx.msk [tilespmem:v11+s23+$0x0], $0xffff;
	v22 =	vmul.f32 v22, v15  }
0x12a: {  	v14 =	vld.idx.msk [tilespmem:v14+s12+$0x0], $0xffff;
	v17 =	vsub.f32 v46, v44;
	v20 =	vmul.f32 v20, v12;
	v23 =	vmul.f32 v23, v15  }
0x12b: {  	v56 =	vmul.f32 v25, v16;
	v58 =	vmul.f32 v26, v16;
	v22 =	vadd.f32 v22, v24  }
0x12c: {  	v12 =	vmul.f32 v21, v12;
	v15 =	vmul.f32 v27, v15;
	v57 =	vadd.f32 v23, v20  }
0x12d: {  	v13 =	vsub.f32 v13, v45;
	v22 =	vadd.f32 v56, v22  }
0x12e: {  	v12 =	vadd.f32 v15, v12;
	v59 =	vadd.f32 v58, v57;
	v11 =	vmul.f32 v11, v16  }
0x12f: {  	v14 =	vsub.f32 v14, v55;
	v60 =	vadd.f32 v22, v17  }
0x130: {  	v13 =	vadd.f32 v59, v13;
	v11 =	vadd.f32 v11, v12;
	_ =	sdelay $0x1  }
0x131: {  	v11 =	vadd.f32 v11, v14;
	v61 =	vmul.f32 v60, v60;
	v13 =	vmul.f32 v13, v13;
	_ =	sdelay $0x1  }
0x132: {  	v12 =	vadd.f32 v13, v61;
	v11 =	vmul.f32 v11, v11;
	_ =	sdelay $0x1  }
0x133: {  	v11 =	vadd.f32 v11, v12;
	_ =	sdelay $0x1  }
0x134: {  	v12 =	vshra.s32 v11, $0x1;
	v62 =	vmul.f32 $5.000000000e-01, v11  }
0x135: {  	v12 =	vsub.s32 $0x5F3759DF, v12  }
0x136: {  	v63 =	vmul.f32 v12, v62;
	_ =	sdelay $0x1  }
0x137: {  	v14 =	vmul.f32 v12, v63;
	_ =	sdelay $0x1  }
0x138: {  	v14 =	vsub.f32 $1.500000000e+00, v14;
	_ =	sdelay $0x1  }
0x139: {  	v12 =	vmul.f32 v12, v14;
	_ =	sdelay $0x1  }
0x13a: {  	v13 =	vmul.f32 v12, v62;
	_ =	sdelay $0x1  }
0x13b: {  	v13 =	vmul.f32 v13, v12;
	_ =	sdelay $0x1  }
0x13c: {  	s29 =	sadd.s32 $0x4, s29;
	v13 =	vsub.f32 $1.500000000e+00, v13  }
0x13d: {  	p2 =	slt.u32 s29, $0x3C  }
.Ltmp10:
0x13e: {  	v12 =	vmul.f32 v13, v12;
	(pc) =	sbr.rel @p2 .LBB2_11-.Ltmp10, $3  }
0x13f: {  	_ = 	snop  }
0x140: {  	v11 =	vmul.f32 v12, v11;
	_ =	sdelay $0x1  }
0x141: {  	s4 =	sadd.s32 $0x40, s4;
	s6 =	sadd.s32 $0xC0, s6;
	[tilespmem:s5+$0x10] =	vst v11;
	s5 =	sadd.s32 $0x40, s5  }
0x142: {  	s4 =	sshll.u32 s28, $0x7;
	s5 =	sadd.s32 @p1 s17, s19;
	s6 =	simm.s32 $0x19200  }
0x143: {  	s28 =	sor.u32 $0x20, s28;
	s4 =	sadd.s32 s1, s4;
	s5 =	smul.u32 @p1 $0x180, s5  }
0x144: {  	[hbm4b:s4+s3] =	stream.linear.scatter [tilespmem:s6], [sflag:$0x8], $0x400, $0x38;
	[tilespmem:$0x19A00] =	vst v63  }
0x145: {  	s6 =	simm.s32 @p1 $0xFA00;
	s4 =	sadd.s32 @p1 s9, s5;
	s5 =	simm.s32 @p1 $0x0  }
0x146: {  	[tilespmem:s6], [sflag:$0x4] =	stream.linear.gather @p1 [hbm4b:s4+s5], $0xC00, $0x38;
	[tilespmem:$0x19A00] =	vst v63  }
0x147: {  	p1 =	sgt.u32 s28, $0x1869  }
.Ltmp11:
0x148: {  	_ = 	snop;
	(pc) =	sbr.rel @p1 .LBB2_16-.Ltmp11, $1  }
0x149: {  	_ =	sdelay $0x3  }
0x14a: {  	_ =	swait.ge [sflag:s20], $0x2000  }
0x14b: {  	[sflag:s20] =	ssyncset.done $0x0  }
0x14c: {  	[sflag:s20] =	ssyncadd.s32 $0xFFFFE000  }
0x14d: {  	_ =	swait.ge [sflag:s20], $0x2000  }
0x14e: {  	p2 =	sgt.u32 s28, $0x1849;
	[sflag:s20] =	ssyncset.done $0x0  }
0x14f: {  	s4 =	simm.s32 @!p2 $0x2;
	[sflag:s20] =	ssyncadd.s32 $0xFFFFE000  }
0x150: {  	_ =	swait.ge @!p2 [sflag:s4], $0x400  }
0x151: {  	[sflag:s4] =	ssyncset.done @!p2 $0x0  }
0x152: {  	[sflag:s4] =	ssyncadd.s32 @!p2 $0xFFFFFC00  }
0x153: {  	_ =	swait.ge @!p2 [sflag:s4], $0x400  }
0x154: {  	s5 =	simm.s32 @!p2 $0xEA00;
	s6 =	simm.s32 @!p2 $0x11200;
	[sflag:s4] =	ssyncset.done @!p2 $0x0  }
0x155: {  	p1 =	sgt.u32 @!p2 s28, $0x1829;
	[sflag:s4] =	ssyncadd.s32 @!p2 $0xFFFFFC00;
	s4 =	simm.s32 @!p2 $0x400  }
0x156: {  	[tilespmem:s6], [sflag:$0x6] =	stream.indirect.gather @!p2 [spmem:s2], $0x8, s5, s4, $0xb8;
	[tilespmem:$0x19A00] =	vst v63  }
0x157: {  	p3 =	por p1, p2;
	s5 =	simm.s32 @!p2 $0xF200;
	s6 =	simm.s32 @!p2 $0x15200  }
0x158: {  	[tilespmem:s6], [sflag:$0x6] =	stream.indirect.gather @!p2 [spmem:s2], $0x8, s5, s4, $0xb8;
	[tilespmem:$0x19A00] =	vst v63  }
0x159: {  	s4 =	sadd.s32 @!p3 s18, s19  }
0x15a: {  	s4 =	sshll.u32 @!p3 s4, $0x7  }
0x15b: {  	s29 =	simm.s32 @!p3 $0xEE00;
	s6 =	simm.s32 @!p3 $0x0;
	s5 =	sadd.s32 @!p3 s7, s4  }
0x15c: {  	[tilespmem:s29], [sflag:$0x3] =	stream.linear.gather @!p3 [hbm4b:s5+s6], $0x400, $0x38;
	[tilespmem:$0x19A00] =	vst v63  }
0x15d: {  	s4 =	sadd.s32 @!p3 s8, s4;
	s5 =	simm.s32 @!p3 $0xF600  }
0x15e: {  	[tilespmem:s5], [sflag:$0x3] =	stream.linear.gather @!p3 [hbm4b:s4+s6], $0x400, $0x38;
	[tilespmem:$0x19A00] =	vst v63  }
0x15f: {  	p4 =	por @!p2 $0x0, $0x0;
	_ =	swait.ge [sflag:s31], $0xC00  }
0x160: {  	p1 =	por !p1, p2;
	s29 =	simm.s32 $0xFFFFFFFC;
	[sflag:s31] =	ssyncset.done $0x0  }
0x161: {  	s4 =	simm.s32 @!p0 $0x9;
	p3 =	por @!p3 $0x1, $0x1;
	[sflag:s31] =	ssyncadd.s32 $0xFFFFF400  }
0x162: {  	s6 =	simm.s32 $0x0;
	s5 =	simm.s32 $0x90;
	_ =	swait.ge @!p0 [sflag:s4], $0x400  }
0x163: {  	p3 =	por @!p1 p4, p4;
	p1 =	por $0x0, $0x0;
	[sflag:s4] =	ssyncset.done @!p0 $0x0  }
0x164: {  	p1 =	por @!p2 p3, p3;
	[sflag:s4] =	ssyncadd.s32 @!p0 $0xFFFFFC00;
	s4 =	simm.s32 $0x19620  }
.LBB2_14:
0x165: {  	v11 =	vmov s6  }
0x166: {  	v11 =	vshll.u32 v11, $0x3  }
0x167: {  	v11 =	vor.u32 v3, v11  }
0x168: {  	v12 =	vor.u32 $0x3, v11;
	_ =	sdelay $0x4  }
0x169: {  	s30 =	sadd.s32 $0xFFFFFF70, s5;
	v12 =	vld.idx.msk [tilespmem:v12+s11+$0x0], $0xffff  }
0x16a: {  	v15 =	vor.u32 s30, v6  }
0x16b: {  	v17 =	vor.u32 s30, v7;
	_ =	sdelay $0x1  }
0x16c: {  	v14 =	vor.u32 s30, v4  }
0x16d: {  	v14 =	vand.u32 v5, v14;
	v12 =	vtrunc.f32 v12  }
0x16e: {  	v13 =	vor.u32 $0x1, v11;
	v15 =	vld.idx.msk [tilespmem:v15+s14+$0x0], $0xffff;
	v12 =	vcvt.f32.s32 v12  }
0x16f: {  	v17 =	vld.idx.msk [tilespmem:v17+s14+$0x0], $0xffff  }
0x170: {  	v16 =	vld.idx.msk [tilespmem:v11+s11+$0x0], $0xffff;
	v12 =	vshll.u32 v12, $0x4  }
0x171: {  	v19 =	vld.idx.msk [tilespmem:v11+s22+$0x0], $0xffff;
	v20 =	vor.u32 $0x1, v12  }
0x172: {  	v14 =	vld.idx.msk [tilespmem:v14+s14+$0x0], $0xffff;
	v21 =	vor.u32 $0x2, v12  }
0x173: {  	v18 =	vld.idx.msk [tilespmem:v13+s11+$0x0], $0xffff;
	v22 =	vor.u32 $0x3, v12  }
0x174: {  	v13 =	vld.idx.msk [tilespmem:v13+s22+$0x0], $0xffff;
	v23 =	vor.u32 $0x4, v12  }
0x175: {  	v25 =	vor.u32 $0x6, v12;
	v24 =	vld.idx.msk [tilespmem:v12+s23+$0x0], $0xffff  }
0x176: {  	v26 =	vor.u32 $0x7, v12;
	v20 =	vld.idx.msk [tilespmem:v20+s23+$0x0], $0xffff  }
0x177: {  	v27 =	vor.u32 $0x5, v12;
	v21 =	vld.idx.msk [tilespmem:v21+s23+$0x0], $0xffff  }
0x178: {  	v11 =	vor.u32 $0x2, v11;
	v22 =	vld.idx.msk [tilespmem:v22+s23+$0x0], $0xffff  }
0x179: {  	v12 =	vor.u32 $0x8, v12;
	v23 =	vld.idx.msk [tilespmem:v23+s23+$0x0], $0xffff  }
0x17a: {  	v25 =	vld.idx.msk [tilespmem:v25+s23+$0x0], $0xffff  }
0x17b: {  	v26 =	vld.idx.msk [tilespmem:v26+s23+$0x0], $0xffff  }
0x17c: {  	v27 =	vld.idx.msk [tilespmem:v27+s23+$0x0], $0xffff  }
0x17d: {  	v28 =	vld.idx.msk [tilespmem:v11+s11+$0x0], $0xffff  }
0x17e: {  	v24 =	vmul.f32 v24, v14;
	v12 =	vld.idx.msk [tilespmem:v12+s23+$0x0], $0xffff;
	v22 =	vmul.f32 v22, v15  }
0x17f: {  	v11 =	vld.idx.msk [tilespmem:v11+s22+$0x0], $0xffff;
	v16 =	vsub.f32 v19, v16;
	v20 =	vmul.f32 v20, v14;
	v23 =	vmul.f32 v23, v15  }
0x180: {  	v47 =	vmul.f32 v25, v17;
	v49 =	vmul.f32 v26, v17;
	v22 =	vadd.f32 v22, v24  }
0x181: {  	v14 =	vmul.f32 v21, v14;
	v15 =	vmul.f32 v27, v15;
	v48 =	vadd.f32 v23, v20  }
0x182: {  	v13 =	vsub.f32 v13, v18;
	v22 =	vadd.f32 v47, v22  }
0x183: {  	v14 =	vadd.f32 v15, v14;
	v50 =	vadd.f32 v49, v48;
	v12 =	vmul.f32 v12, v17  }
0x184: {  	v11 =	vsub.f32 v11, v28;
	v51 =	vadd.f32 v22, v16  }
0x185: {  	v13 =	vadd.f32 v50, v13;
	v12 =	vadd.f32 v12, v14;
	_ =	sdelay $0x1  }
0x186: {  	v11 =	vadd.f32 v12, v11;
	v52 =	vmul.f32 v51, v51;
	v13 =	vmul.f32 v13, v13;
	_ =	sdelay $0x1  }
0x187: {  	v12 =	vadd.f32 v13, v52;
	v11 =	vmul.f32 v11, v11;
	_ =	sdelay $0x1  }
0x188: {  	v11 =	vadd.f32 v11, v12;
	_ =	sdelay $0x1  }
0x189: {  	v12 =	vshra.s32 v11, $0x1;
	v53 =	vmul.f32 $5.000000000e-01, v11  }
0x18a: {  	v12 =	vsub.s32 $0x5F3759DF, v12  }
0x18b: {  	v54 =	vmul.f32 v12, v53;
	_ =	sdelay $0x1  }
0x18c: {  	v14 =	vmul.f32 v12, v54;
	_ =	sdelay $0x1  }
0x18d: {  	v14 =	vsub.f32 $1.500000000e+00, v14;
	_ =	sdelay $0x1  }
0x18e: {  	v12 =	vmul.f32 v12, v14;
	_ =	sdelay $0x1  }
0x18f: {  	v13 =	vmul.f32 v12, v53;
	_ =	sdelay $0x1  }
0x190: {  	s30 =	sadd.s32 $0x10, s6;
	v13 =	vmul.f32 v13, v12  }
0x191: {  	v55 =	vmov s30  }
0x192: {  	v14 =	vshll.u32 v55, $0x3;
	v13 =	vsub.f32 $1.500000000e+00, v13  }
0x193: {  	v14 =	vor.u32 v3, v14  }
0x194: {  	v56 =	vor.u32 $0x3, v14;
	v12 =	vmul.f32 v13, v12;
	_ =	sdelay $0x1  }
0x195: {  	v11 =	vmul.f32 v12, v11;
	_ =	sdelay $0x1  }
0x196: {  	[tilespmem:s4+$0xFFFFFFE0] =	vst v11  }
0x197: {  	v11 =	vld.idx.msk [tilespmem:v56+s11+$0x0], $0xffff  }
0x198: {  	s30 =	sadd.s32 $0xFFFFFFA0, s5  }
0x199: {  	v59 =	vadd.s32 s30, v6;
	v58 =	vor.u32 $0x1, v14  }
0x19a: {  	v60 =	vadd.s32 s30, v7;
	v15 =	vand.u32 $0x1FF8, v59  }
0x19b: {  	v15 =	vor.u32 v9, v15;
	v16 =	vand.u32 $0x1FF8, v60  }
0x19c: {  	v57 =	vadd.s32 s30, v4;
	v16 =	vor.u32 v10, v16;
	v11 =	vtrunc.f32 v11  }
0x19d: {  	v12 =	vand.u32 $0x1FF8, v57;
	v61 =	vld.idx.msk [tilespmem:v14+s11+$0x0], $0xffff;
	v11 =	vcvt.f32.s32 v11  }
0x19e: {  	v12 =	vor.u32 v8, v12;
	v62 =	vld.idx.msk [tilespmem:v58+s11+$0x0], $0xffff  }
0x19f: {  	v63 =	vld.idx.msk [tilespmem:v14+s22+$0x0], $0xffff;
	v11 =	vshll.u32 v11, $0x4  }
0x1a0: {  	v15 =	vld.idx.msk [tilespmem:v15+s14+$0x0], $0xffff;
	v29 =	vor.u32 $0x1, v11  }
0x1a1: {  	v16 =	vld.idx.msk [tilespmem:v16+s14+$0x0], $0xffff;
	v30 =	vor.u32 $0x2, v11  }
0x1a2: {  	v13 =	vld.idx.msk [tilespmem:v58+s22+$0x0], $0xffff;
	v31 =	vor.u32 $0x3, v11  }
0x1a3: {  	v12 =	vld.idx.msk [tilespmem:v12+s14+$0x0], $0xffff;
	v32 =	vor.u32 $0x4, v11  }
0x1a4: {  	v34 =	vor.u32 $0x6, v11;
	v33 =	vld.idx.msk [tilespmem:v11+s23+$0x0], $0xffff  }
0x1a5: {  	v35 =	vor.u32 $0x7, v11;
	v20 =	vld.idx.msk [tilespmem:v29+s23+$0x0], $0xffff  }
0x1a6: {  	v36 =	vor.u32 $0x5, v11;
	v21 =	vld.idx.msk [tilespmem:v30+s23+$0x0], $0xffff  }
0x1a7: {  	v14 =	vor.u32 $0x2, v14;
	v22 =	vld.idx.msk [tilespmem:v31+s23+$0x0], $0xffff  }
0x1a8: {  	v11 =	vor.u32 $0x8, v11;
	v23 =	vld.idx.msk [tilespmem:v32+s23+$0x0], $0xffff  }
0x1a9: {  	v25 =	vld.idx.msk [tilespmem:v34+s23+$0x0], $0xffff  }
0x1aa: {  	v26 =	vld.idx.msk [tilespmem:v35+s23+$0x0], $0xffff  }
0x1ab: {  	v27 =	vld.idx.msk [tilespmem:v36+s23+$0x0], $0xffff  }
0x1ac: {  	v37 =	vld.idx.msk [tilespmem:v14+s11+$0x0], $0xffff  }
0x1ad: {  	v24 =	vmul.f32 v33, v12;
	v11 =	vld.idx.msk [tilespmem:v11+s23+$0x0], $0xffff;
	v22 =	vmul.f32 v22, v15  }
0x1ae: {  	v14 =	vld.idx.msk [tilespmem:v14+s22+$0x0], $0xffff;
	v17 =	vsub.f32 v63, v61;
	v20 =	vmul.f32 v20, v12;
	v23 =	vmul.f32 v23, v15  }
0x1af: {  	v38 =	vmul.f32 v25, v16;
	v40 =	vmul.f32 v26, v16;
	v22 =	vadd.f32 v22, v24  }
0x1b0: {  	v12 =	vmul.f32 v21, v12;
	v15 =	vmul.f32 v27, v15;
	v39 =	vadd.f32 v23, v20  }
0x1b1: {  	v13 =	vsub.f32 v13, v62;
	v22 =	vadd.f32 v38, v22  }
0x1b2: {  	v12 =	vadd.f32 v15, v12;
	v41 =	vadd.f32 v40, v39;
	v11 =	vmul.f32 v11, v16  }
0x1b3: {  	v14 =	vsub.f32 v14, v37;
	v42 =	vadd.f32 v22, v17  }
0x1b4: {  	v13 =	vadd.f32 v41, v13;
	v11 =	vadd.f32 v11, v12;
	_ =	sdelay $0x1  }
0x1b5: {  	v11 =	vadd.f32 v11, v14;
	v43 =	vmul.f32 v42, v42;
	v13 =	vmul.f32 v13, v13;
	_ =	sdelay $0x1  }
0x1b6: {  	v12 =	vadd.f32 v13, v43;
	v11 =	vmul.f32 v11, v11;
	_ =	sdelay $0x1  }
0x1b7: {  	v11 =	vadd.f32 v11, v12;
	_ =	sdelay $0x1  }
0x1b8: {  	v12 =	vshra.s32 v11, $0x1;
	v44 =	vmul.f32 $5.000000000e-01, v11  }
0x1b9: {  	v12 =	vsub.s32 $0x5F3759DF, v12  }
0x1ba: {  	v45 =	vmul.f32 v12, v44;
	_ =	sdelay $0x1  }
0x1bb: {  	v14 =	vmul.f32 v12, v45;
	_ =	sdelay $0x1  }
0x1bc: {  	v14 =	vsub.f32 $1.500000000e+00, v14;
	_ =	sdelay $0x1  }
0x1bd: {  	v12 =	vmul.f32 v12, v14;
	_ =	sdelay $0x1  }
0x1be: {  	v13 =	vmul.f32 v12, v44;
	_ =	sdelay $0x1  }
0x1bf: {  	s30 =	sadd.s32 $0x20, s6;
	v13 =	vmul.f32 v13, v12  }
0x1c0: {  	v46 =	vmov s30  }
0x1c1: {  	v14 =	vshll.u32 v46, $0x3;
	v13 =	vsub.f32 $1.500000000e+00, v13  }
0x1c2: {  	v14 =	vor.u32 v3, v14  }
0x1c3: {  	v47 =	vor.u32 $0x3, v14;
	v12 =	vmul.f32 v13, v12;
	_ =	sdelay $0x1  }
0x1c4: {  	v11 =	vmul.f32 v12, v11;
	_ =	sdelay $0x1  }
0x1c5: {  	[tilespmem:s4+$0xFFFFFFF0] =	vst v11  }
0x1c6: {  	v11 =	vld.idx.msk [tilespmem:v47+s11+$0x0], $0xffff  }
0x1c7: {  	s30 =	sadd.s32 $0xFFFFFFD0, s5  }
0x1c8: {  	v50 =	vadd.s32 s30, v6;
	v49 =	vor.u32 $0x1, v14  }
0x1c9: {  	v51 =	vadd.s32 s30, v7;
	v15 =	vand.u32 $0x1FF8, v50  }
0x1ca: {  	v15 =	vor.u32 v9, v15;
	v16 =	vand.u32 $0x1FF8, v51  }
0x1cb: {  	v48 =	vadd.s32 s30, v4;
	v16 =	vor.u32 v10, v16;
	v11 =	vtrunc.f32 v11  }
0x1cc: {  	v12 =	vand.u32 $0x1FF8, v48;
	v52 =	vld.idx.msk [tilespmem:v14+s11+$0x0], $0xffff;
	v11 =	vcvt.f32.s32 v11  }
0x1cd: {  	v12 =	vor.u32 v8, v12;
	v53 =	vld.idx.msk [tilespmem:v49+s11+$0x0], $0xffff  }
0x1ce: {  	v54 =	vld.idx.msk [tilespmem:v14+s22+$0x0], $0xffff;
	v11 =	vshll.u32 v11, $0x4  }
0x1cf: {  	v15 =	vld.idx.msk [tilespmem:v15+s14+$0x0], $0xffff;
	v55 =	vor.u32 $0x1, v11  }
0x1d0: {  	v16 =	vld.idx.msk [tilespmem:v16+s14+$0x0], $0xffff;
	v56 =	vor.u32 $0x2, v11  }
0x1d1: {  	v13 =	vld.idx.msk [tilespmem:v49+s22+$0x0], $0xffff;
	v57 =	vor.u32 $0x3, v11  }
0x1d2: {  	v12 =	vld.idx.msk [tilespmem:v12+s14+$0x0], $0xffff;
	v58 =	vor.u32 $0x4, v11  }
0x1d3: {  	v60 =	vor.u32 $0x6, v11;
	v59 =	vld.idx.msk [tilespmem:v11+s23+$0x0], $0xffff  }
0x1d4: {  	v61 =	vor.u32 $0x7, v11;
	v20 =	vld.idx.msk [tilespmem:v55+s23+$0x0], $0xffff  }
0x1d5: {  	v62 =	vor.u32 $0x5, v11;
	v21 =	vld.idx.msk [tilespmem:v56+s23+$0x0], $0xffff  }
0x1d6: {  	v14 =	vor.u32 $0x2, v14;
	v22 =	vld.idx.msk [tilespmem:v57+s23+$0x0], $0xffff  }
0x1d7: {  	v11 =	vor.u32 $0x8, v11;
	v23 =	vld.idx.msk [tilespmem:v58+s23+$0x0], $0xffff  }
0x1d8: {  	v25 =	vld.idx.msk [tilespmem:v60+s23+$0x0], $0xffff  }
0x1d9: {  	v26 =	vld.idx.msk [tilespmem:v61+s23+$0x0], $0xffff  }
0x1da: {  	v27 =	vld.idx.msk [tilespmem:v62+s23+$0x0], $0xffff  }
0x1db: {  	v63 =	vld.idx.msk [tilespmem:v14+s11+$0x0], $0xffff  }
0x1dc: {  	v24 =	vmul.f32 v59, v12;
	v11 =	vld.idx.msk [tilespmem:v11+s23+$0x0], $0xffff;
	v22 =	vmul.f32 v22, v15  }
0x1dd: {  	v14 =	vld.idx.msk [tilespmem:v14+s22+$0x0], $0xffff;
	v17 =	vsub.f32 v54, v52;
	v20 =	vmul.f32 v20, v12;
	v23 =	vmul.f32 v23, v15  }
0x1de: {  	v30 =	vmul.f32 v25, v16;
	v32 =	vmul.f32 v26, v16;
	v22 =	vadd.f32 v22, v24  }
0x1df: {  	v12 =	vmul.f32 v21, v12;
	v15 =	vmul.f32 v27, v15;
	v31 =	vadd.f32 v23, v20  }
0x1e0: {  	v13 =	vsub.f32 v13, v53;
	v22 =	vadd.f32 v30, v22  }
0x1e1: {  	v12 =	vadd.f32 v15, v12;
	v33 =	vadd.f32 v32, v31;
	v11 =	vmul.f32 v11, v16  }
0x1e2: {  	v14 =	vsub.f32 v14, v63;
	v34 =	vadd.f32 v22, v17  }
0x1e3: {  	v13 =	vadd.f32 v33, v13;
	v11 =	vadd.f32 v11, v12;
	_ =	sdelay $0x1  }
0x1e4: {  	v11 =	vadd.f32 v11, v14;
	v35 =	vmul.f32 v34, v34;
	v13 =	vmul.f32 v13, v13;
	_ =	sdelay $0x1  }
0x1e5: {  	v12 =	vadd.f32 v13, v35;
	v11 =	vmul.f32 v11, v11;
	_ =	sdelay $0x1  }
0x1e6: {  	v11 =	vadd.f32 v11, v12;
	_ =	sdelay $0x1  }
0x1e7: {  	v12 =	vshra.s32 v11, $0x1;
	v36 =	vmul.f32 $5.000000000e-01, v11  }
0x1e8: {  	v12 =	vsub.s32 $0x5F3759DF, v12  }
0x1e9: {  	v37 =	vmul.f32 v12, v36;
	_ =	sdelay $0x1  }
0x1ea: {  	v14 =	vmul.f32 v12, v37;
	_ =	sdelay $0x1  }
0x1eb: {  	v14 =	vsub.f32 $1.500000000e+00, v14;
	_ =	sdelay $0x1  }
0x1ec: {  	v12 =	vmul.f32 v12, v14;
	_ =	sdelay $0x1  }
0x1ed: {  	v13 =	vmul.f32 v12, v36;
	_ =	sdelay $0x1  }
0x1ee: {  	s30 =	sadd.s32 $0x30, s6;
	v13 =	vmul.f32 v13, v12  }
0x1ef: {  	v38 =	vmov s30  }
0x1f0: {  	v14 =	vshll.u32 v38, $0x3;
	v13 =	vsub.f32 $1.500000000e+00, v13  }
0x1f1: {  	v14 =	vor.u32 v3, v14  }
0x1f2: {  	v39 =	vor.u32 $0x3, v14;
	v12 =	vmul.f32 v13, v12;
	_ =	sdelay $0x1  }
0x1f3: {  	v11 =	vmul.f32 v12, v11;
	_ =	sdelay $0x1  }
0x1f4: {  	[tilespmem:s4+$0x0] =	vst v11  }
0x1f5: {  	v11 =	vld.idx.msk [tilespmem:v39+s11+$0x0], $0xffff;
	_ =	sdelay $0x1  }
0x1f6: {  	v42 =	vadd.s32 s5, v6;
	v41 =	vor.u32 $0x1, v14  }
0x1f7: {  	v43 =	vadd.s32 s5, v7;
	v15 =	vand.u32 $0x1FF8, v42  }
0x1f8: {  	v15 =	vor.u32 v9, v15;
	v16 =	vand.u32 $0x1FF8, v43  }
0x1f9: {  	v40 =	vadd.s32 s5, v4;
	v16 =	vor.u32 v10, v16;
	v11 =	vtrunc.f32 v11  }
0x1fa: {  	v12 =	vand.u32 $0x1FF8, v40;
	v44 =	vld.idx.msk [tilespmem:v14+s11+$0x0], $0xffff;
	v11 =	vcvt.f32.s32 v11  }
0x1fb: {  	v12 =	vor.u32 v8, v12;
	v45 =	vld.idx.msk [tilespmem:v41+s11+$0x0], $0xffff  }
0x1fc: {  	v46 =	vld.idx.msk [tilespmem:v14+s22+$0x0], $0xffff;
	v11 =	vshll.u32 v11, $0x4  }
0x1fd: {  	v15 =	vld.idx.msk [tilespmem:v15+s14+$0x0], $0xffff;
	v47 =	vor.u32 $0x1, v11  }
0x1fe: {  	v16 =	vld.idx.msk [tilespmem:v16+s14+$0x0], $0xffff;
	v48 =	vor.u32 $0x2, v11  }
0x1ff: {  	v13 =	vld.idx.msk [tilespmem:v41+s22+$0x0], $0xffff;
	v49 =	vor.u32 $0x3, v11  }
0x200: {  	v12 =	vld.idx.msk [tilespmem:v12+s14+$0x0], $0xffff;
	v50 =	vor.u32 $0x4, v11  }
0x201: {  	v52 =	vor.u32 $0x6, v11;
	v51 =	vld.idx.msk [tilespmem:v11+s23+$0x0], $0xffff  }
0x202: {  	v53 =	vor.u32 $0x7, v11;
	v20 =	vld.idx.msk [tilespmem:v47+s23+$0x0], $0xffff  }
0x203: {  	v54 =	vor.u32 $0x5, v11;
	v21 =	vld.idx.msk [tilespmem:v48+s23+$0x0], $0xffff  }
0x204: {  	v14 =	vor.u32 $0x2, v14;
	v22 =	vld.idx.msk [tilespmem:v49+s23+$0x0], $0xffff  }
0x205: {  	v11 =	vor.u32 $0x8, v11;
	v23 =	vld.idx.msk [tilespmem:v50+s23+$0x0], $0xffff  }
0x206: {  	v25 =	vld.idx.msk [tilespmem:v52+s23+$0x0], $0xffff  }
0x207: {  	v26 =	vld.idx.msk [tilespmem:v53+s23+$0x0], $0xffff  }
0x208: {  	v27 =	vld.idx.msk [tilespmem:v54+s23+$0x0], $0xffff  }
0x209: {  	v55 =	vld.idx.msk [tilespmem:v14+s11+$0x0], $0xffff  }
0x20a: {  	v24 =	vmul.f32 v51, v12;
	v11 =	vld.idx.msk [tilespmem:v11+s23+$0x0], $0xffff;
	v22 =	vmul.f32 v22, v15  }
0x20b: {  	v14 =	vld.idx.msk [tilespmem:v14+s22+$0x0], $0xffff;
	v17 =	vsub.f32 v46, v44;
	v20 =	vmul.f32 v20, v12;
	v23 =	vmul.f32 v23, v15  }
0x20c: {  	v56 =	vmul.f32 v25, v16;
	v58 =	vmul.f32 v26, v16;
	v22 =	vadd.f32 v22, v24  }
0x20d: {  	v12 =	vmul.f32 v21, v12;
	v15 =	vmul.f32 v27, v15;
	v57 =	vadd.f32 v23, v20  }
0x20e: {  	v13 =	vsub.f32 v13, v45;
	v22 =	vadd.f32 v56, v22  }
0x20f: {  	v12 =	vadd.f32 v15, v12;
	v59 =	vadd.f32 v58, v57;
	v11 =	vmul.f32 v11, v16  }
0x210: {  	v14 =	vsub.f32 v14, v55;
	v60 =	vadd.f32 v22, v17  }
0x211: {  	v13 =	vadd.f32 v59, v13;
	v11 =	vadd.f32 v11, v12;
	_ =	sdelay $0x1  }
0x212: {  	v11 =	vadd.f32 v11, v14;
	v61 =	vmul.f32 v60, v60;
	v13 =	vmul.f32 v13, v13;
	_ =	sdelay $0x1  }
0x213: {  	v12 =	vadd.f32 v13, v61;
	v11 =	vmul.f32 v11, v11;
	_ =	sdelay $0x1  }
0x214: {  	v11 =	vadd.f32 v11, v12;
	_ =	sdelay $0x1  }
0x215: {  	v12 =	vshra.s32 v11, $0x1;
	v62 =	vmul.f32 $5.000000000e-01, v11  }
0x216: {  	v12 =	vsub.s32 $0x5F3759DF, v12  }
0x217: {  	v63 =	vmul.f32 v12, v62;
	_ =	sdelay $0x1  }
0x218: {  	v14 =	vmul.f32 v12, v63;
	_ =	sdelay $0x1  }
0x219: {  	v14 =	vsub.f32 $1.500000000e+00, v14;
	_ =	sdelay $0x1  }
0x21a: {  	v12 =	vmul.f32 v12, v14;
	_ =	sdelay $0x1  }
0x21b: {  	v13 =	vmul.f32 v12, v62;
	_ =	sdelay $0x1  }
0x21c: {  	v13 =	vmul.f32 v13, v12;
	_ =	sdelay $0x1  }
0x21d: {  	s29 =	sadd.s32 $0x4, s29;
	v13 =	vsub.f32 $1.500000000e+00, v13  }
0x21e: {  	p0 =	slt.u32 s29, $0x3C  }
.Ltmp12:
0x21f: {  	v12 =	vmul.f32 v13, v12;
	(pc) =	sbr.rel @p0 .LBB2_14-.Ltmp12, $3  }
0x220: {  	_ = 	snop  }
0x221: {  	v11 =	vmul.f32 v12, v11;
	_ =	sdelay $0x1  }
0x222: {  	s6 =	sadd.s32 $0x40, s6;
	s5 =	sadd.s32 $0xC0, s5;
	[tilespmem:s4+$0x10] =	vst v11;
	s4 =	sadd.s32 $0x40, s4  }
.Ltmp13:
0x223: {  	s4 =	sshll.u32 s28, $0x7;
	s5 =	sadd.s32 @p1 s18, s19;
	(pc) =	sbr.rel .LBB2_16-.Ltmp13, $4  }
0x224: {  	s6 =	simm.s32 $0x19600;
	s4 =	sadd.s32 s1, s4;
	s5 =	smul.u32 @p1 $0x180, s5  }
0x225: {  	[hbm4b:s4+s3] =	stream.linear.scatter [tilespmem:s6], [sflag:$0x9], $0x400, $0x38;
	[tilespmem:$0x19A00] =	vst v63  }
0x226: {  	s6 =	simm.s32 @p1 $0x10600;
	s4 =	sadd.s32 @p1 s9, s5;
	s5 =	simm.s32 @p1 $0x0  }
0x227: {  	[tilespmem:s6], [sflag:$0x5] =	stream.linear.gather @p1 [hbm4b:s4+s5], $0xC00, $0x38;
	[tilespmem:$0x19A00] =	vst v63  }
.LBB2_18:
0x228: {  	_ =	sfence.sel $0x180000  }
0x229: {  	[bflag:$0x0] =	sbarrier.arrive $0xFFFF  }
0x22a: {  	_ =	strace $0x90000047  }
0x22b: {  	[bflag:$0x2] =	sbarrier.arrive $0xFFFF  }
0x22c: {  	p0 =	sne.s32 s28, $0x0;
	s0 =	rddreg [dreg:$0x3]  }
0x22d: {  	s0 =	sadd.s32 @!p0 $0x100000, s0  }
0x22e: {  	[sflag:s0] =	ssyncadd.tile.s32 @!p0 $0x1;
	_ =	shalt  }
.Lfunc_end2:
_tile_overlayer_lowered:
.L_overlay_start_2:
0x22f: {  	(tag) =	ssettag $0x2  }
0x230: {  	s0 =	rddreg [dreg:$0x0];
	s2 =	stileid.u32  }
0x231: {  	s1 =	rddreg [dreg:$0x1];
	p0 =	sne.s32 s2, $0x0  }
0x232: {  	s3 =	rddreg [dreg:$0x2];
	[bflag:$0x3] =	sbarrier.arrive $0xFFFF;
	s2 =	simm.s32 @!p0 $0x1C0A  }
0x233: {  	[timem:s3], [sflag:s2] =	dma.local @!p0 [hbm:s0], s1  }
0x234: {  	s0 =	simm.s32 @!p0 $0xA  }
0x235: {  	_ =	swait.ge @!p0 [sflag:s0], s1  }
0x236: {  	s1 =	ssub.s32 @!p0 $0x0, s1;
	[sflag:s0] =	ssyncset.done @!p0 $0x0  }
0x237: {  	[sflag:s0] =	ssyncadd.s32 @!p0 s1  }
0x238: {  	[bflag:$0x3] =	sbarrier.arrive $0xFFFF  }
0x239: {  	_ =	shalt  }

</sc_bundles>
